<compile_context>
chip_gen: v7x
topology: tpu7x:2x2x1
jax: 0.10.2.dev20260603
libtpu: 0.0.44.dev20260713+nightly
codegen_flags: <defaults>
</compile_context>

<pallas_src>
import functools

import jax
import jax.numpy as jnp
from jax import lax
from jax.experimental import pallas as pl
from jax.experimental.pallas import tpu as pltpu
from jax.experimental.pallas import tpu_sc as plsc

B, F, D = 16384, 26, 16
FIELD_SIZE = 38462
D_IN = F * D

_NC, _NS = 2, 16
_NW = _NC * _NS
_BF = B * F
_IDX_W = 128
_ROWS_TOTAL = _BF // _IDX_W
_ROWS_PER_W = _ROWS_TOTAL // _NW
_CG = 8
_NCHUNK = _ROWS_PER_W // _CG


V = F * FIELD_SIZE
_NB_FULL = V // 128
_TAIL = V - _NB_FULL * 128


def _make_sc_transpose():
    mesh = plsc.VectorSubcoreMesh(
        core_axis_name="c", subcore_axis_name="s",
        num_cores=_NC, num_subcores=_NS)

    CW = 128
    NBLK = V // CW
    NQ, NR = divmod(NBLK, _NW)
    OW = CW * 16

    @functools.partial(
        pl.kernel,
        out_type=jax.ShapeDtypeStruct((V * D,), jnp.float32),
        mesh=mesh,
        scratch_types=(
            pltpu.VMEM((64, CW + 9), jnp.float32),
            pltpu.VMEM((4 * OW,), jnp.float32),
            pltpu.SemaphoreType.DMA,
            pltpu.SemaphoreType.DMA,
        ),
        compiler_params=pltpu.CompilerParams(use_tc_tiling_on_sc=True,
                                             needs_layout_passes=False,
                                             disable_bounds_checks=True),
    )
    def transpose_k(embT, tail_in, out, tbuf, obuf, sem_in, sem_out):
        wid = lax.axis_index("s") * _NC + lax.axis_index("c")
        nb = NQ + (wid < NR).astype(jnp.int32)
        base = wid * NQ + jnp.minimum(wid, NR)
        d16 = lax.broadcasted_iota(jnp.int32, (16,), 0)

        def issue_in(i, p):
            c0 = pl.multiple_of((base + i) * CW, CW)
            pltpu.async_copy(embT.at[pl.ds(0, 8), pl.ds(c0, CW)],
                             tbuf.at[pl.ds(p * 16, 8), pl.ds(0, CW)], sem_in)
            pltpu.async_copy(embT.at[pl.ds(8, 8), pl.ds(c0, CW)],
                             tbuf.at[pl.ds(p * 16 + 8, 8), pl.ds(0, CW)],
                             sem_in)

        def wait_in(p):
            for tr in range(2):
                pltpu.make_async_copy(
                    embT.at[pl.ds(0, 8), pl.ds(0, CW)],
                    tbuf.at[pl.ds(p * 16 + tr * 8, 8), pl.ds(0, CW)],
                    sem_in).wait()

        def wait_out():
            pltpu.make_async_copy(
                obuf.at[pl.ds(0, OW)], out.at[pl.ds(0, OW)],
                sem_out).wait()

        issue_in(0, 0)
        issue_in(1, 1)
        issue_in(2, 2)

        def blk(i, carry):
            p = i & 3
            wait_in(p)

            @pl.when(i + 3 < nb)
            def _():
                issue_in(i + 3, (i + 3) & 3)

            @pl.when(i >= 4)
            def _():
                wait_out()

            row0 = jnp.full((16,), p * 16, jnp.int32) + d16
            obase = p * OW

            @plsc.parallel_loop(0, CW, 1, unroll=16)
            def _cols(c):
                cv = jnp.full((16,), 0, jnp.int32) + c
                v = plsc.load_gather(tbuf, [row0, cv])
                obuf[pl.ds(obase + c * 16, 16)] = v
            c0 = pl.multiple_of((base + i) * CW, CW)
            pltpu.async_copy(obuf.at[pl.ds(p * OW, OW)],
                             out.at[pl.ds(c0 * 16, OW)], sem_out)
            return carry

        lax.fori_loop(0, nb, blk, 0)
        for _i in range(4):
            wait_out()

        @pl.when(wid == 31)
        def _():
            pltpu.sync_copy(tail_in, obuf.at[pl.ds(0, _TAIL * 16)])
            pltpu.sync_copy(obuf.at[pl.ds(0, _TAIL * 16)],
                            out.at[pl.ds(_NB_FULL * 2048, _TAIL * 16)])

    return transpose_k


def _make_sc_gather():
    mesh = plsc.VectorSubcoreMesh(
        core_axis_name="c", subcore_axis_name="s",
        num_cores=_NC, num_subcores=_NS)

    @functools.partial(
        pl.kernel,
        out_type=(
            jax.ShapeDtypeStruct((_BF, D), jnp.float32),
            jax.ShapeDtypeStruct((_BF,), jnp.float32),
        ),
        mesh=mesh,
        scratch_types=(
            pltpu.VMEM((_ROWS_PER_W, _IDX_W), jnp.int32),
            pltpu.VMEM((2 * _CG * _IDX_W, D), jnp.float32),
            pltpu.VMEM((2 * _CG * _IDX_W,), jnp.float32),
            pltpu.SemaphoreType.DMA,
            pltpu.SemaphoreType.DMA,
            pltpu.SemaphoreType.DMA,
        ),
        compiler_params=pltpu.CompilerParams(use_tc_tiling_on_sc=False),
    )
    def sc_gather(idx_hbm, emb_hbm, lin_hbm, rows_out, lin_out,
                  idx_v, rows_v, lin_v, sem_e, sem_l, sem_o):
        wid = lax.axis_index("s") * _NC + lax.axis_index("c")
        row0 = wid * _ROWS_PER_W
        CHW = _CG * _IDX_W
        pltpu.sync_copy(idx_hbm.at[pl.ds(row0, _ROWS_PER_W)], idx_v)

        def issue(g, p):
            for b in range(_CG):
                r = g * _CG + b
                pltpu.async_copy(
                    emb_hbm.at[idx_v.at[r]],
                    rows_v.at[pl.ds(p * CHW + b * _IDX_W, _IDX_W)], sem_e)
                pltpu.async_copy(
                    lin_hbm.at[idx_v.at[r]],
                    lin_v.at[pl.ds(p * CHW + b * _IDX_W, _IDX_W)], sem_l)

        def wait_in(p):
            for b in range(_CG):
                pltpu.make_async_copy(
                    emb_hbm.at[idx_v.at[0]],
                    rows_v.at[pl.ds(p * CHW + b * _IDX_W, _IDX_W)],
                    sem_e).wait()
                pltpu.make_async_copy(
                    lin_hbm.at[idx_v.at[0]],
                    lin_v.at[pl.ds(p * CHW + b * _IDX_W, _IDX_W)],
                    sem_l).wait()

        def wait_out():
            pltpu.make_async_copy(
                rows_v.at[pl.ds(0, CHW)], rows_out.at[pl.ds(0, CHW)],
                sem_o).wait()
            pltpu.make_async_copy(
                lin_v.at[pl.ds(0, CHW)], lin_out.at[pl.ds(0, CHW)],
                sem_o).wait()

        issue(0, 0)

        def chunk(g, carry):
            p = g & 1
            wait_in(p)

            @pl.when(g + 1 < _NCHUNK)
            def _():
                issue(g + 1, p ^ 1)

            @pl.when(g >= 2)
            def _():
                wait_out()

            base = (row0 + g * _CG) * _IDX_W
            pltpu.async_copy(rows_v.at[pl.ds(p * CHW, CHW)],
                             rows_out.at[pl.ds(base, CHW)], sem_o)
            pltpu.async_copy(lin_v.at[pl.ds(p * CHW, CHW)],
                             lin_out.at[pl.ds(base, CHW)], sem_o)
            return carry

        lax.fori_loop(0, _NCHUNK, chunk, 0)
        wait_out()
        wait_out()

    return sc_gather


_sc_cache = {}


def _sc_gather(idx2d, emb_table, lin_w):
    if "g" not in _sc_cache:
        _sc_cache["g"] = _make_sc_gather()
    return _sc_cache["g"](idx2d, emb_table, lin_w)


def _sc_transpose(embT, tail_in):
    if "t" not in _sc_cache:
        _sc_cache["t"] = _make_sc_transpose()
    return _sc_cache["t"](embT, tail_in)

_BB = 2048


def _tc_body(emb_ref, xv_ref, linv_ref, w1_ref, b1_ref, w2_ref, b2_ref,
             w3_ref, b3_ref, lb_ref, out_ref):
    ex = emb_ref[...]
    xv = xv_ref[...]
    f_ids = lax.broadcasted_iota(jnp.int32, (F, D_IN), 0)
    j_ids = lax.broadcasted_iota(jnp.int32, (F, D_IN), 1)
    e_mat = (lax.shift_right_logical(j_ids, 4) == f_ids).astype(jnp.float32)
    xve = jnp.dot(xv, e_mat, preferred_element_type=jnp.float32)
    ex = ex * xve
    j2 = lax.broadcasted_iota(jnp.int32, (D_IN, D), 0)
    d2 = lax.broadcasted_iota(jnp.int32, (D_IN, D), 1)
    s_mat = ((j2 & (D - 1)) == d2).astype(jnp.float32)
    s = jnp.dot(ex, s_mat, preferred_element_type=jnp.float32)
    sq = jnp.dot(ex * ex, s_mat, preferred_element_type=jnp.float32)
    fm = 0.5 * jnp.sum(s * s - sq, axis=1, keepdims=True)
    linear = jnp.sum(linv_ref[...] * xv, axis=1, keepdims=True) + lb_ref[0, 0]
    h = jnp.dot(ex, w1_ref[...], preferred_element_type=jnp.float32)
    h = jnp.maximum(h + b1_ref[...], 0.0)
    h = jnp.dot(h, w2_ref[...], preferred_element_type=jnp.float32)
    h = jnp.maximum(h + b2_ref[...], 0.0)
    mlp = jnp.dot(h, w3_ref[...], preferred_element_type=jnp.float32)
    out_ref[...] = linear + fm + mlp + b3_ref[0, 0]


def _tc_call(emb2d, xv, linv2d, w1, b1, w2, b2, w3, b3, lb):
    return pl.pallas_call(
        _tc_body,
        grid=(B // _BB,),
        in_specs=[
            pl.BlockSpec((_BB, D_IN), lambda i: (i, 0)),
            pl.BlockSpec((_BB, F), lambda i: (i, 0)),
            pl.BlockSpec((_BB, F), lambda i: (i, 0)),
            pl.BlockSpec((D_IN, 256), lambda i: (0, 0)),
            pl.BlockSpec((1, 256), lambda i: (0, 0)),
            pl.BlockSpec((256, 128), lambda i: (0, 0)),
            pl.BlockSpec((1, 128), lambda i: (0, 0)),
            pl.BlockSpec((128, 1), lambda i: (0, 0)),
            pl.BlockSpec((1, 1), lambda i: (0, 0)),
            pl.BlockSpec((1, 1), lambda i: (0, 0)),
        ],
        out_specs=pl.BlockSpec((_BB, 1), lambda i: (i, 0)),
        out_shape=jax.ShapeDtypeStruct((B, 1), jnp.float32),
        compiler_params=pltpu.CompilerParams(
            dimension_semantics=("parallel",)),
    )(emb2d, xv, linv2d, w1, b1, w2, b2, w3, b3, lb)


def kernel(x_field, x, x_val, emb_table, lin_w, lin_b, W1, b1, W2, b2, W3, b3):
    idx = x + x_field * FIELD_SIZE
    idx2d = idx.reshape(_ROWS_TOTAL, _IDX_W)
    tail = lax.slice(emb_table, (_NB_FULL * 128, 0), (V, D)).reshape(_TAIL * D)
    emb_lin = _sc_transpose(emb_table.T, tail).reshape(V, D)
    rows, linv = _sc_gather(idx2d, emb_lin, lin_w[:, 0])
    emb2d = rows.reshape(B, D_IN)
    linv2d = linv.reshape(B, F)
    out = _tc_call(
        emb2d, x_val, linv2d, W1, b1.reshape(1, 256), W2, b2.reshape(1, 128),
        W3, b3.reshape(1, 1), lin_b.reshape(1, 1))
    return out[:, 0]

# --- scband reference (transcript-rebuilt; emitter-appended) ---
"""Pipeline reference for scband-deep-factorization-machine-model-7610682048652 (READ-ONLY COPY).

The authoritative reference and input builder live on the scoring server;
editing this copy changes nothing except your own understanding.
"""

import jax, jax.numpy as jnp
import numpy as np

B, F, D = 16384, 26, 16
FIELD_SIZE = 38462
V = F * FIELD_SIZE  # 1000012 total vocab
OFFSETS = jnp.arange(F + 1, dtype=jnp.int32) * FIELD_SIZE  # cumulative field offsets (field_dims)
D_IN = F * D  # embed_output_dim = (len(field_dims)-1) * embed_dim = 416


def setup_inputs(seed: int = 0) -> dict:
    key = jax.random.key(seed)
    ks = jax.random.split(key, 10)
    x_field = jax.random.randint(ks[0], (B, F), 0, F)
    x = jax.random.randint(ks[1], (B, F), 0, FIELD_SIZE)
    x_val = jax.random.uniform(ks[2], (B, F), dtype=jnp.float32)
    emb_table = jax.random.normal(ks[3], (V, D), dtype=jnp.float32) * 0.01
    lin_w = jax.random.normal(ks[4], (V, 1), dtype=jnp.float32) * 0.01
    lin_b = jnp.zeros((1,), dtype=jnp.float32)
    W1 = jax.random.normal(ks[5], (D_IN, 256), dtype=jnp.float32) * (1.0 / np.sqrt(D_IN))
    b1 = jnp.zeros((256,), dtype=jnp.float32)
    W2 = jax.random.normal(ks[6], (256, 128), dtype=jnp.float32) * (1.0 / np.sqrt(256))
    b2 = jnp.zeros((128,), dtype=jnp.float32)
    W3 = jax.random.normal(ks[7], (128, 1), dtype=jnp.float32) * (1.0 / np.sqrt(128))
    b3 = jnp.zeros((1,), dtype=jnp.float32)
    return {"x_field": x_field, "x": x, "x_val": x_val, "emb_table": emb_table,
            "lin_w": lin_w, "lin_b": lin_b, "W1": W1, "b1": b1, "W2": W2, "b2": b2,
            "W3": W3, "b3": b3}


def reference(x_field, x, x_val, emb_table, lin_w, lin_b, W1, b1, W2, b2, W3, b3):
    # FeaturesEmbedding: global index = local index + offset of its field; scale by value
    idx = x + jnp.take(OFFSETS, x_field)
    embed_x = jnp.take(emb_table, idx, axis=0) * x_val[..., None]  # (B, F, D)
    # FeaturesLinear: per-feature scalar weight, value-weighted, summed + bias -> (B, 1)
    linear = jnp.sum(jnp.take(lin_w, idx, axis=0)[..., 0] * x_val, axis=1, keepdims=True) + lin_b
    # FactorizationMachine (reduce_sum=True): 0.5 * ((sum_f e)^2 - sum_f e^2) summed over D -> (B, 1)
    s = jnp.sum(embed_x, axis=1)
    fm = 0.5 * jnp.sum(s * s - jnp.sum(embed_x * embed_x, axis=1), axis=1, keepdims=True)
    # MultiLayerPerceptron (eval mode: dropout identity, batchnorm with default stats is identity)
    h = embed_x.reshape((embed_x.shape[0], D_IN))
    h = jax.nn.relu(h @ W1 + b1)
    h = jax.nn.relu(h @ W2 + b2)
    mlp = h @ W3 + b3
    out = linear + fm + mlp  # (B, 1)
    return jnp.squeeze(out, axis=1)  # (B,)

if __name__ == "__main__":
    import jax
    _d = setup_inputs()
    print(jax.jit(kernel)(*tuple(_d.values())))

</pallas_src>

<mosaic_0001>
#map = affine_map<(d0, d1) -> (0, 0)>
#map1 = affine_map<(d0, d1) -> (0)>
module attributes {stable_mosaic.version = 14 : i64} {
  func.func @sc_gather(%arg0: i32, %arg1: i32, %arg2: memref<3328x128xi32, #tpu.memory_space<hbm>>, %arg3: memref<1000012x16xf32, #tpu.memory_space<hbm>>, %arg4: memref<1000012xf32, #tpu.memory_space<hbm>>, %arg5: memref<425984x16xf32, #tpu.memory_space<hbm>>, %arg6: memref<425984xf32, #tpu.memory_space<hbm>>, %arg7: memref<104x128xi32, #tpu.memory_space<vmem>>, %arg8: memref<2048x16xf32, #tpu.memory_space<vmem>>, %arg9: memref<2048xf32, #tpu.memory_space<vmem>>, %arg10: memref<!tpu.dma_semaphore, #tpu.memory_space<semaphore_mem>>, %arg11: memref<!tpu.dma_semaphore, #tpu.memory_space<semaphore_mem>>, %arg12: memref<!tpu.dma_semaphore, #tpu.memory_space<semaphore_mem>>) attributes {dimension_semantics = [#tpu.dimension_semantics<core_parallel>, #tpu.dimension_semantics<subcore_parallel>], iteration_bounds = array<i64: 2, 16>, scalar_prefetch = 0 : i64, scratch_operands = 6 : i64, tpu.core_type = #tpu.core_type<sc_vector_subcore>, window_params = [{transform_indices = #map}, {transform_indices = #map}, {transform_indices = #map1}, {transform_indices = #map}, {transform_indices = #map1}]} {
    %mul3A = arith.constant 2 : i32
    %mul3A_0 = arith.muli %arg1, %mul3A : i32
    %add3A = arith.addi %mul3A_0, %arg0 : i32
    %mul3A_1 = arith.constant 104 : i32
    %mul3A_2 = arith.muli %add3A, %mul3A_1 : i32
    "tpu.region"() ({
      %run_scoped3A = tpu.sem_alloc : memref<!tpu.dma_semaphore, #tpu.memory_space<semaphore_mem>>
      %dma_start3A_190 = arith.constant 0 : i32
      %dma_start3A_191 = tpu.memref_slice %arg2[%mul3A_2, %dma_start3A_190] : memref<3328x128xi32, #tpu.memory_space<hbm>> -> memref<104x128xi32, #tpu.memory_space<hbm>>
      %dma_start3A_192 = arith.constant 0 : i32
      %dma_start3A_193 = tpu.memref_slice %arg2[%mul3A_2, %dma_start3A_192] : memref<3328x128xi32, #tpu.memory_space<hbm>> -> memref<104x128xi32, #tpu.memory_space<hbm>>
      tpu.enqueue_dma source(%dma_start3A_193 : memref<104x128xi32, #tpu.memory_space<hbm>>) target(%arg7 : memref<104x128xi32, #tpu.memory_space<vmem>>) target_semaphore(%run_scoped3A : memref<!tpu.dma_semaphore, #tpu.memory_space<semaphore_mem>>)
      %dma_wait3A_194 = arith.constant 0 : i32
      %dma_wait3A_195 = tpu.memref_slice %arg2[%mul3A_2, %dma_wait3A_194] : memref<3328x128xi32, #tpu.memory_space<hbm>> -> memref<104x128xi32, #tpu.memory_space<hbm>>
      %dma_wait3A_196 = arith.constant 0 : i32
      %dma_wait3A_197 = tpu.memref_slice %arg2[%mul3A_2, %dma_wait3A_196] : memref<3328x128xi32, #tpu.memory_space<hbm>> -> memref<104x128xi32, #tpu.memory_space<hbm>>
      tpu.wait_dma2 semaphore(%run_scoped3A : memref<!tpu.dma_semaphore, #tpu.memory_space<semaphore_mem>>) src(%dma_wait3A_197 : memref<104x128xi32, #tpu.memory_space<hbm>>) dst(%arg7 : memref<104x128xi32, #tpu.memory_space<vmem>>)
      tpu.yield
    }) : () -> ()
    %dma_start3A = arith.constant 0 : i32
    %dma_start3A_3 = arith.constant 0 : i32
    %dma_start3A_4 = arith.constant 0 : i32
    %dma_start3A_5 = tpu.memref_slice %arg8[%dma_start3A_3, %dma_start3A_4] : memref<2048x16xf32, #tpu.memory_space<vmem>> -> memref<128x16xf32, #tpu.memory_space<vmem>>
    %dma_start3A_6 = arith.constant 0 : i32
    %dma_start3A_7 = tpu.memref_slice %arg7[%dma_start3A, %dma_start3A_6] : memref<104x128xi32, #tpu.memory_space<vmem>> -> memref<1x128xi32, #tpu.memory_space<vmem>>
    %dma_start3A_8 = tpu.memref_squeeze %dma_start3A_7 : memref<1x128xi32, #tpu.memory_space<vmem>> -> memref<128xi32, #tpu.memory_space<vmem>>
    %dma_start3A_9 = arith.constant 0 : i32
    %dma_start3A_10 = arith.constant 0 : i32
    %dma_start3A_11 = tpu.memref_slice %arg3[%dma_start3A_9, %dma_start3A_10] : memref<1000012x16xf32, #tpu.memory_space<hbm>> -> memref<1000012x16xf32, #tpu.memory_space<hbm>>
    tpu.enqueue_indirect_dma source(%dma_start3A_11 : memref<1000012x16xf32, #tpu.memory_space<hbm>>) target(%dma_start3A_5 : memref<128x16xf32, #tpu.memory_space<vmem>>) offsets(%dma_start3A_8 : memref<128xi32, #tpu.memory_space<vmem>>) semaphore(%arg10 : memref<!tpu.dma_semaphore, #tpu.memory_space<semaphore_mem>>)
    %dma_start3A_12 = arith.constant 0 : i32
    %dma_start3A_13 = arith.constant 0 : i32
    %dma_start3A_14 = tpu.memref_slice %arg9[%dma_start3A_13] : memref<2048xf32, #tpu.memory_space<vmem>> -> memref<128xf32, #tpu.memory_space<vmem>>
    %dma_start3A_15 = arith.constant 0 : i32
    %dma_start3A_16 = tpu.memref_slice %arg7[%dma_start3A_12, %dma_start3A_15] : memref<104x128xi32, #tpu.memory_space<vmem>> -> memref<1x128xi32, #tpu.memory_space<vmem>>
    %dma_start3A_17 = tpu.memref_squeeze %dma_start3A_16 : memref<1x128xi32, #tpu.memory_space<vmem>> -> memref<128xi32, #tpu.memory_space<vmem>>
    %dma_start3A_18 = arith.constant 0 : i32
    %dma_start3A_19 = tpu.memref_slice %arg4[%dma_start3A_18] : memref<1000012xf32, #tpu.memory_space<hbm>> -> memref<1000012xf32, #tpu.memory_space<hbm>>
    tpu.enqueue_indirect_dma source(%dma_start3A_19 : memref<1000012xf32, #tpu.memory_space<hbm>>) target(%dma_start3A_14 : memref<128xf32, #tpu.memory_space<vmem>>) offsets(%dma_start3A_17 : memref<128xi32, #tpu.memory_space<vmem>>) semaphore(%arg11 : memref<!tpu.dma_semaphore, #tpu.memory_space<semaphore_mem>>)
    %dma_start3A_20 = arith.constant 1 : i32
    %dma_start3A_21 = arith.constant 128 : i32
    %dma_start3A_22 = arith.constant 0 : i32
    %dma_start3A_23 = tpu.memref_slice %arg8[%dma_start3A_21, %dma_start3A_22] : memref<2048x16xf32, #tpu.memory_space<vmem>> -> memref<128x16xf32, #tpu.memory_space<vmem>>
    %dma_start3A_24 = arith.constant 0 : i32
    %dma_start3A_25 = tpu.memref_slice %arg7[%dma_start3A_20, %dma_start3A_24] : memref<104x128xi32, #tpu.memory_space<vmem>> -> memref<1x128xi32, #tpu.memory_space<vmem>>
    %dma_start3A_26 = tpu.memref_squeeze %dma_start3A_25 : memref<1x128xi32, #tpu.memory_space<vmem>> -> memref<128xi32, #tpu.memory_space<vmem>>
    %dma_start3A_27 = arith.constant 0 : i32
    %dma_start3A_28 = arith.constant 0 : i32
    %dma_start3A_29 = tpu.memref_slice %arg3[%dma_start3A_27, %dma_start3A_28] : memref<1000012x16xf32, #tpu.memory_space<hbm>> -> memref<1000012x16xf32, #tpu.memory_space<hbm>>
    tpu.enqueue_indirect_dma source(%dma_start3A_29 : memref<1000012x16xf32, #tpu.memory_space<hbm>>) target(%dma_start3A_23 : memref<128x16xf32, #tpu.memory_space<vmem>>) offsets(%dma_start3A_26 : memref<128xi32, #tpu.memory_space<vmem>>) semaphore(%arg10 : memref<!tpu.dma_semaphore, #tpu.memory_space<semaphore_mem>>)
    %dma_start3A_30 = arith.constant 1 : i32
    %dma_start3A_31 = arith.constant 128 : i32
    %dma_start3A_32 = tpu.memref_slice %arg9[%dma_start3A_31] : memref<2048xf32, #tpu.memory_space<vmem>> -> memref<128xf32, #tpu.memory_space<vmem>>
    %dma_start3A_33 = arith.constant 0 : i32
    %dma_start3A_34 = tpu.memref_slice %arg7[%dma_start3A_30, %dma_start3A_33] : memref<104x128xi32, #tpu.memory_space<vmem>> -> memref<1x128xi32, #tpu.memory_space<vmem>>
    %dma_start3A_35 = tpu.memref_squeeze %dma_start3A_34 : memref<1x128xi32, #tpu.memory_space<vmem>> -> memref<128xi32, #tpu.memory_space<vmem>>
    %dma_start3A_36 = arith.constant 0 : i32
    %dma_start3A_37 = tpu.memref_slice %arg4[%dma_start3A_36] : memref<1000012xf32, #tpu.memory_space<hbm>> -> memref<1000012xf32, #tpu.memory_space<hbm>>
    tpu.enqueue_indirect_dma source(%dma_start3A_37 : memref<1000012xf32, #tpu.memory_space<hbm>>) target(%dma_start3A_32 : memref<128xf32, #tpu.memory_space<vmem>>) offsets(%dma_start3A_35 : memref<128xi32, #tpu.memory_space<vmem>>) semaphore(%arg11 : memref<!tpu.dma_semaphore, #tpu.memory_space<semaphore_mem>>)
    %dma_start3A_38 = arith.constant 2 : i32
    %dma_start3A_39 = arith.constant 256 : i32
    %dma_start3A_40 = arith.constant 0 : i32
    %dma_start3A_41 = tpu.memref_slice %arg8[%dma_start3A_39, %dma_start3A_40] : memref<2048x16xf32, #tpu.memory_space<vmem>> -> memref<128x16xf32, #tpu.memory_space<vmem>>
    %dma_start3A_42 = arith.constant 0 : i32
    %dma_start3A_43 = tpu.memref_slice %arg7[%dma_start3A_38, %dma_start3A_42] : memref<104x128xi32, #tpu.memory_space<vmem>> -> memref<1x128xi32, #tpu.memory_space<vmem>>
    %dma_start3A_44 = tpu.memref_squeeze %dma_start3A_43 : memref<1x128xi32, #tpu.memory_space<vmem>> -> memref<128xi32, #tpu.memory_space<vmem>>
    %dma_start3A_45 = arith.constant 0 : i32
    %dma_start3A_46 = arith.constant 0 : i32
    %dma_start3A_47 = tpu.memref_slice %arg3[%dma_start3A_45, %dma_start3A_46] : memref<1000012x16xf32, #tpu.memory_space<hbm>> -> memref<1000012x16xf32, #tpu.memory_space<hbm>>
    tpu.enqueue_indirect_dma source(%dma_start3A_47 : memref<1000012x16xf32, #tpu.memory_space<hbm>>) target(%dma_start3A_41 : memref<128x16xf32, #tpu.memory_space<vmem>>) offsets(%dma_start3A_44 : memref<128xi32, #tpu.memory_space<vmem>>) semaphore(%arg10 : memref<!tpu.dma_semaphore, #tpu.memory_space<semaphore_mem>>)
    %dma_start3A_48 = arith.constant 2 : i32
    %dma_start3A_49 = arith.constant 256 : i32
    %dma_start3A_50 = tpu.memref_slice %arg9[%dma_start3A_49] : memref<2048xf32, #tpu.memory_space<vmem>> -> memref<128xf32, #tpu.memory_space<vmem>>
    %dma_start3A_51 = arith.constant 0 : i32
    %dma_start3A_52 = tpu.memref_slice %arg7[%dma_start3A_48, %dma_start3A_51] : memref<104x128xi32, #tpu.memory_space<vmem>> -> memref<1x128xi32, #tpu.memory_space<vmem>>
    %dma_start3A_53 = tpu.memref_squeeze %dma_start3A_52 : memref<1x128xi32, #tpu.memory_space<vmem>> -> memref<128xi32, #tpu.memory_space<vmem>>
    %dma_start3A_54 = arith.constant 0 : i32
    %dma_start3A_55 = tpu.memref_slice %arg4[%dma_start3A_54] : memref<1000012xf32, #tpu.memory_space<hbm>> -> memref<1000012xf32, #tpu.memory_space<hbm>>
    tpu.enqueue_indirect_dma source(%dma_start3A_55 : memref<1000012xf32, #tpu.memory_space<hbm>>) target(%dma_start3A_50 : memref<128xf32, #tpu.memory_space<vmem>>) offsets(%dma_start3A_53 : memref<128xi32, #tpu.memory_space<vmem>>) semaphore(%arg11 : memref<!tpu.dma_semaphore, #tpu.memory_space<semaphore_mem>>)
    %dma_start3A_56 = arith.constant 3 : i32
    %dma_start3A_57 = arith.constant 384 : i32
    %dma_start3A_58 = arith.constant 0 : i32
    %dma_start3A_59 = tpu.memref_slice %arg8[%dma_start3A_57, %dma_start3A_58] : memref<2048x16xf32, #tpu.memory_space<vmem>> -> memref<128x16xf32, #tpu.memory_space<vmem>>
    %dma_start3A_60 = arith.constant 0 : i32
    %dma_start3A_61 = tpu.memref_slice %arg7[%dma_start3A_56, %dma_start3A_60] : memref<104x128xi32, #tpu.memory_space<vmem>> -> memref<1x128xi32, #tpu.memory_space<vmem>>
    %dma_start3A_62 = tpu.memref_squeeze %dma_start3A_61 : memref<1x128xi32, #tpu.memory_space<vmem>> -> memref<128xi32, #tpu.memory_space<vmem>>
    %dma_start3A_63 = arith.constant 0 : i32
    %dma_start3A_64 = arith.constant 0 : i32
    %dma_start3A_65 = tpu.memref_slice %arg3[%dma_start3A_63, %dma_start3A_64] : memref<1000012x16xf32, #tpu.memory_space<hbm>> -> memref<1000012x16xf32, #tpu.memory_space<hbm>>
    tpu.enqueue_indirect_dma source(%dma_start3A_65 : memref<1000012x16xf32, #tpu.memory_space<hbm>>) target(%dma_start3A_59 : memref<128x16xf32, #tpu.memory_space<vmem>>) offsets(%dma_start3A_62 : memref<128xi32, #tpu.memory_space<vmem>>) semaphore(%arg10 : memref<!tpu.dma_semaphore, #tpu.memory_space<semaphore_mem>>)
    %dma_start3A_66 = arith.constant 3 : i32
    %dma_start3A_67 = arith.constant 384 : i32
    %dma_start3A_68 = tpu.memref_slice %arg9[%dma_start3A_67] : memref<2048xf32, #tpu.memory_space<vmem>> -> memref<128xf32, #tpu.memory_space<vmem>>
    %dma_start3A_69 = arith.constant 0 : i32
    %dma_start3A_70 = tpu.memref_slice %arg7[%dma_start3A_66, %dma_start3A_69] : memref<104x128xi32, #tpu.memory_space<vmem>> -> memref<1x128xi32, #tpu.memory_space<vmem>>
    %dma_start3A_71 = tpu.memref_squeeze %dma_start3A_70 : memref<1x128xi32, #tpu.memory_space<vmem>> -> memref<128xi32, #tpu.memory_space<vmem>>
    %dma_start3A_72 = arith.constant 0 : i32
    %dma_start3A_73 = tpu.memref_slice %arg4[%dma_start3A_72] : memref<1000012xf32, #tpu.memory_space<hbm>> -> memref<1000012xf32, #tpu.memory_space<hbm>>
    tpu.enqueue_indirect_dma source(%dma_start3A_73 : memref<1000012xf32, #tpu.memory_space<hbm>>) target(%dma_start3A_68 : memref<128xf32, #tpu.memory_space<vmem>>) offsets(%dma_start3A_71 : memref<128xi32, #tpu.memory_space<vmem>>) semaphore(%arg11 : memref<!tpu.dma_semaphore, #tpu.memory_space<semaphore_mem>>)
    %dma_start3A_74 = arith.constant 4 : i32
    %dma_start3A_75 = arith.constant 512 : i32
    %dma_start3A_76 = arith.constant 0 : i32
    %dma_start3A_77 = tpu.memref_slice %arg8[%dma_start3A_75, %dma_start3A_76] : memref<2048x16xf32, #tpu.memory_space<vmem>> -> memref<128x16xf32, #tpu.memory_space<vmem>>
    %dma_start3A_78 = arith.constant 0 : i32
    %dma_start3A_79 = tpu.memref_slice %arg7[%dma_start3A_74, %dma_start3A_78] : memref<104x128xi32, #tpu.memory_space<vmem>> -> memref<1x128xi32, #tpu.memory_space<vmem>>
    %dma_start3A_80 = tpu.memref_squeeze %dma_start3A_79 : memref<1x128xi32, #tpu.memory_space<vmem>> -> memref<128xi32, #tpu.memory_space<vmem>>
    %dma_start3A_81 = arith.constant 0 : i32
    %dma_start3A_82 = arith.constant 0 : i32
    %dma_start3A_83 = tpu.memref_slice %arg3[%dma_start3A_81, %dma_start3A_82] : memref<1000012x16xf32, #tpu.memory_space<hbm>> -> memref<1000012x16xf32, #tpu.memory_space<hbm>>
    tpu.enqueue_indirect_dma source(%dma_start3A_83 : memref<1000012x16xf32, #tpu.memory_space<hbm>>) target(%dma_start3A_77 : memref<128x16xf32, #tpu.memory_space<vmem>>) offsets(%dma_start3A_80 : memref<128xi32, #tpu.memory_space<vmem>>) semaphore(%arg10 : memref<!tpu.dma_semaphore, #tpu.memory_space<semaphore_mem>>)
    %dma_start3A_84 = arith.constant 4 : i32
    %dma_start3A_85 = arith.constant 512 : i32
    %dma_start3A_86 = tpu.memref_slice %arg9[%dma_start3A_85] : memref<2048xf32, #tpu.memory_space<vmem>> -> memref<128xf32, #tpu.memory_space<vmem>>
    %dma_start3A_87 = arith.constant 0 : i32
    %dma_start3A_88 = tpu.memref_slice %arg7[%dma_start3A_84, %dma_start3A_87] : memref<104x128xi32, #tpu.memory_space<vmem>> -> memref<1x128xi32, #tpu.memory_space<vmem>>
    %dma_start3A_89 = tpu.memref_squeeze %dma_start3A_88 : memref<1x128xi32, #tpu.memory_space<vmem>> -> memref<128xi32, #tpu.memory_space<vmem>>
    %dma_start3A_90 = arith.constant 0 : i32
    %dma_start3A_91 = tpu.memref_slice %arg4[%dma_start3A_90] : memref<1000012xf32, #tpu.memory_space<hbm>> -> memref<1000012xf32, #tpu.memory_space<hbm>>
    tpu.enqueue_indirect_dma source(%dma_start3A_91 : memref<1000012xf32, #tpu.memory_space<hbm>>) target(%dma_start3A_86 : memref<128xf32, #tpu.memory_space<vmem>>) offsets(%dma_start3A_89 : memref<128xi32, #tpu.memory_space<vmem>>) semaphore(%arg11 : memref<!tpu.dma_semaphore, #tpu.memory_space<semaphore_mem>>)
    %dma_start3A_92 = arith.constant 5 : i32
    %dma_start3A_93 = arith.constant 640 : i32
    %dma_start3A_94 = arith.constant 0 : i32
    %dma_start3A_95 = tpu.memref_slice %arg8[%dma_start3A_93, %dma_start3A_94] : memref<2048x16xf32, #tpu.memory_space<vmem>> -> memref<128x16xf32, #tpu.memory_space<vmem>>
    %dma_start3A_96 = arith.constant 0 : i32
    %dma_start3A_97 = tpu.memref_slice %arg7[%dma_start3A_92, %dma_start3A_96] : memref<104x128xi32, #tpu.memory_space<vmem>> -> memref<1x128xi32, #tpu.memory_space<vmem>>
    %dma_start3A_98 = tpu.memref_squeeze %dma_start3A_97 : memref<1x128xi32, #tpu.memory_space<vmem>> -> memref<128xi32, #tpu.memory_space<vmem>>
    %dma_start3A_99 = arith.constant 0 : i32
    %dma_start3A_100 = arith.constant 0 : i32
    %dma_start3A_101 = tpu.memref_slice %arg3[%dma_start3A_99, %dma_start3A_100] : memref<1000012x16xf32, #tpu.memory_space<hbm>> -> memref<1000012x16xf32, #tpu.memory_space<hbm>>
    tpu.enqueue_indirect_dma source(%dma_start3A_101 : memref<1000012x16xf32, #tpu.memory_space<hbm>>) target(%dma_start3A_95 : memref<128x16xf32, #tpu.memory_space<vmem>>) offsets(%dma_start3A_98 : memref<128xi32, #tpu.memory_space<vmem>>) semaphore(%arg10 : memref<!tpu.dma_semaphore, #tpu.memory_space<semaphore_mem>>)
    %dma_start3A_102 = arith.constant 5 : i32
    %dma_start3A_103 = arith.constant 640 : i32
    %dma_start3A_104 = tpu.memref_slice %arg9[%dma_start3A_103] : memref<2048xf32, #tpu.memory_space<vmem>> -> memref<128xf32, #tpu.memory_space<vmem>>
    %dma_start3A_105 = arith.constant 0 : i32
    %dma_start3A_106 = tpu.memref_slice %arg7[%dma_start3A_102, %dma_start3A_105] : memref<104x128xi32, #tpu.memory_space<vmem>> -> memref<1x128xi32, #tpu.memory_space<vmem>>
    %dma_start3A_107 = tpu.memref_squeeze %dma_start3A_106 : memref<1x128xi32, #tpu.memory_space<vmem>> -> memref<128xi32, #tpu.memory_space<vmem>>
    %dma_start3A_108 = arith.constant 0 : i32
    %dma_start3A_109 = tpu.memref_slice %arg4[%dma_start3A_108] : memref<1000012xf32, #tpu.memory_space<hbm>> -> memref<1000012xf32, #tpu.memory_space<hbm>>
    tpu.enqueue_indirect_dma source(%dma_start3A_109 : memref<1000012xf32, #tpu.memory_space<hbm>>) target(%dma_start3A_104 : memref<128xf32, #tpu.memory_space<vmem>>) offsets(%dma_start3A_107 : memref<128xi32, #tpu.memory_space<vmem>>) semaphore(%arg11 : memref<!tpu.dma_semaphore, #tpu.memory_space<semaphore_mem>>)
    %dma_start3A_110 = arith.constant 6 : i32
    %dma_start3A_111 = arith.constant 768 : i32
    %dma_start3A_112 = arith.constant 0 : i32
    %dma_start3A_113 = tpu.memref_slice %arg8[%dma_start3A_111, %dma_start3A_112] : memref<2048x16xf32, #tpu.memory_space<vmem>> -> memref<128x16xf32, #tpu.memory_space<vmem>>
    %dma_start3A_114 = arith.constant 0 : i32
    %dma_start3A_115 = tpu.memref_slice %arg7[%dma_start3A_110, %dma_start3A_114] : memref<104x128xi32, #tpu.memory_space<vmem>> -> memref<1x128xi32, #tpu.memory_space<vmem>>
    %dma_start3A_116 = tpu.memref_squeeze %dma_start3A_115 : memref<1x128xi32, #tpu.memory_space<vmem>> -> memref<128xi32, #tpu.memory_space<vmem>>
    %dma_start3A_117 = arith.constant 0 : i32
    %dma_start3A_118 = arith.constant 0 : i32
    %dma_start3A_119 = tpu.memref_slice %arg3[%dma_start3A_117, %dma_start3A_118] : memref<1000012x16xf32, #tpu.memory_space<hbm>> -> memref<1000012x16xf32, #tpu.memory_space<hbm>>
    tpu.enqueue_indirect_dma source(%dma_start3A_119 : memref<1000012x16xf32, #tpu.memory_space<hbm>>) target(%dma_start3A_113 : memref<128x16xf32, #tpu.memory_space<vmem>>) offsets(%dma_start3A_116 : memref<128xi32, #tpu.memory_space<vmem>>) semaphore(%arg10 : memref<!tpu.dma_semaphore, #tpu.memory_space<semaphore_mem>>)
    %dma_start3A_120 = arith.constant 6 : i32
    %dma_start3A_121 = arith.constant 768 : i32
    %dma_start3A_122 = tpu.memref_slice %arg9[%dma_start3A_121] : memref<2048xf32, #tpu.memory_space<vmem>> -> memref<128xf32, #tpu.memory_space<vmem>>
    %dma_start3A_123 = arith.constant 0 : i32
    %dma_start3A_124 = tpu.memref_slice %arg7[%dma_start3A_120, %dma_start3A_123] : memref<104x128xi32, #tpu.memory_space<vmem>> -> memref<1x128xi32, #tpu.memory_space<vmem>>
    %dma_start3A_125 = tpu.memref_squeeze %dma_start3A_124 : memref<1x128xi32, #tpu.memory_space<vmem>> -> memref<128xi32, #tpu.memory_space<vmem>>
    %dma_start3A_126 = arith.constant 0 : i32
    %dma_start3A_127 = tpu.memref_slice %arg4[%dma_start3A_126] : memref<1000012xf32, #tpu.memory_space<hbm>> -> memref<1000012xf32, #tpu.memory_space<hbm>>
    tpu.enqueue_indirect_dma source(%dma_start3A_127 : memref<1000012xf32, #tpu.memory_space<hbm>>) target(%dma_start3A_122 : memref<128xf32, #tpu.memory_space<vmem>>) offsets(%dma_start3A_125 : memref<128xi32, #tpu.memory_space<vmem>>) semaphore(%arg11 : memref<!tpu.dma_semaphore, #tpu.memory_space<semaphore_mem>>)
    %dma_start3A_128 = arith.constant 7 : i32
    %dma_start3A_129 = arith.constant 896 : i32
    %dma_start3A_130 = arith.constant 0 : i32
    %dma_start3A_131 = tpu.memref_slice %arg8[%dma_start3A_129, %dma_start3A_130] : memref<2048x16xf32, #tpu.memory_space<vmem>> -> memref<128x16xf32, #tpu.memory_space<vmem>>
    %dma_start3A_132 = arith.constant 0 : i32
    %dma_start3A_133 = tpu.memref_slice %arg7[%dma_start3A_128, %dma_start3A_132] : memref<104x128xi32, #tpu.memory_space<vmem>> -> memref<1x128xi32, #tpu.memory_space<vmem>>
    %dma_start3A_134 = tpu.memref_squeeze %dma_start3A_133 : memref<1x128xi32, #tpu.memory_space<vmem>> -> memref<128xi32, #tpu.memory_space<vmem>>
    %dma_start3A_135 = arith.constant 0 : i32
    %dma_start3A_136 = arith.constant 0 : i32
    %dma_start3A_137 = tpu.memref_slice %arg3[%dma_start3A_135, %dma_start3A_136] : memref<1000012x16xf32, #tpu.memory_space<hbm>> -> memref<1000012x16xf32, #tpu.memory_space<hbm>>
    tpu.enqueue_indirect_dma source(%dma_start3A_137 : memref<1000012x16xf32, #tpu.memory_space<hbm>>) target(%dma_start3A_131 : memref<128x16xf32, #tpu.memory_space<vmem>>) offsets(%dma_start3A_134 : memref<128xi32, #tpu.memory_space<vmem>>) semaphore(%arg10 : memref<!tpu.dma_semaphore, #tpu.memory_space<semaphore_mem>>)
    %dma_start3A_138 = arith.constant 7 : i32
    %dma_start3A_139 = arith.constant 896 : i32
    %dma_start3A_140 = tpu.memref_slice %arg9[%dma_start3A_139] : memref<2048xf32, #tpu.memory_space<vmem>> -> memref<128xf32, #tpu.memory_space<vmem>>
    %dma_start3A_141 = arith.constant 0 : i32
    %dma_start3A_142 = tpu.memref_slice %arg7[%dma_start3A_138, %dma_start3A_141] : memref<104x128xi32, #tpu.memory_space<vmem>> -> memref<1x128xi32, #tpu.memory_space<vmem>>
    %dma_start3A_143 = tpu.memref_squeeze %dma_start3A_142 : memref<1x128xi32, #tpu.memory_space<vmem>> -> memref<128xi32, #tpu.memory_space<vmem>>
    %dma_start3A_144 = arith.constant 0 : i32
    %dma_start3A_145 = tpu.memref_slice %arg4[%dma_start3A_144] : memref<1000012xf32, #tpu.memory_space<hbm>> -> memref<1000012xf32, #tpu.memory_space<hbm>>
    tpu.enqueue_indirect_dma source(%dma_start3A_145 : memref<1000012xf32, #tpu.memory_space<hbm>>) target(%dma_start3A_140 : memref<128xf32, #tpu.memory_space<vmem>>) offsets(%dma_start3A_143 : memref<128xi32, #tpu.memory_space<vmem>>) semaphore(%arg11 : memref<!tpu.dma_semaphore, #tpu.memory_space<semaphore_mem>>)
    %scan3A = arith.constant 0 : i32
    %scan3A_146 = arith.constant 0 : i32
    %scan3A_147 = arith.constant 13 : i32
    %scan3A_148 = arith.addi %scan3A_146, %scan3A_147 : i32
    %scan3A_149 = arith.constant 1 : i32
    scf.for %scan3A_190 = %scan3A_146 to %scan3A_148 step %scan3A_149  : i32 {
      %and3A = arith.constant 1 : i32
      %and3A_191 = arith.andi %scan3A_190, %and3A : i32
      %mul3A_192 = arith.constant 1024 : i32
      %mul3A_193 = arith.muli %and3A_191, %mul3A_192 : i32
      %add3A_194 = arith.constant 0 : i32
      %add3A_195 = arith.addi %mul3A_193, %add3A_194 : i32
      %dma_wait3A_196 = arith.constant 0 : i32
      %dma_wait3A_197 = arith.constant 0 : i32
      %dma_wait3A_198 = tpu.memref_slice %arg8[%add3A_195, %dma_wait3A_197] : memref<2048x16xf32, #tpu.memory_space<vmem>> -> memref<128x16xf32, #tpu.memory_space<vmem>>
      %dma_wait3A_199 = arith.constant 0 : i32
      %dma_wait3A_200 = tpu.memref_slice %arg7[%dma_wait3A_196, %dma_wait3A_199] : memref<104x128xi32, #tpu.memory_space<vmem>> -> memref<1x128xi32, #tpu.memory_space<vmem>>
      %dma_wait3A_201 = tpu.memref_squeeze %dma_wait3A_200 : memref<1x128xi32, #tpu.memory_space<vmem>> -> memref<128xi32, #tpu.memory_space<vmem>>
      %dma_wait3A_202 = arith.constant 0 : i32
      %dma_wait3A_203 = arith.constant 0 : i32
      %dma_wait3A_204 = tpu.memref_slice %arg3[%dma_wait3A_202, %dma_wait3A_203] : memref<1000012x16xf32, #tpu.memory_space<hbm>> -> memref<1000012x16xf32, #tpu.memory_space<hbm>>
      tpu.wait_indirect_dma semaphore(%arg10 : memref<!tpu.dma_semaphore, #tpu.memory_space<semaphore_mem>>) src(%dma_wait3A_204 : memref<1000012x16xf32, #tpu.memory_space<hbm>>) dst(%dma_wait3A_198 : memref<128x16xf32, #tpu.memory_space<vmem>>)
      %mul3A_205 = arith.constant 1024 : i32
      %mul3A_206 = arith.muli %and3A_191, %mul3A_205 : i32
      %add3A_207 = arith.constant 0 : i32
      %add3A_208 = arith.addi %mul3A_206, %add3A_207 : i32
      %dma_wait3A_209 = arith.constant 0 : i32
      %dma_wait3A_210 = tpu.memref_slice %arg9[%add3A_208] : memref<2048xf32, #tpu.memory_space<vmem>> -> memref<128xf32, #tpu.memory_space<vmem>>
      %dma_wait3A_211 = arith.constant 0 : i32
      %dma_wait3A_212 = tpu.memref_slice %arg7[%dma_wait3A_209, %dma_wait3A_211] : memref<104x128xi32, #tpu.memory_space<vmem>> -> memref<1x128xi32, #tpu.memory_space<vmem>>
      %dma_wait3A_213 = tpu.memref_squeeze %dma_wait3A_212 : memref<1x128xi32, #tpu.memory_space<vmem>> -> memref<128xi32, #tpu.memory_space<vmem>>
      %dma_wait3A_214 = arith.constant 0 : i32
      %dma_wait3A_215 = tpu.memref_slice %arg4[%dma_wait3A_214] : memref<1000012xf32, #tpu.memory_space<hbm>> -> memref<1000012xf32, #tpu.memory_space<hbm>>
      tpu.wait_indirect_dma semaphore(%arg11 : memref<!tpu.dma_semaphore, #tpu.memory_space<semaphore_mem>>) src(%dma_wait3A_215 : memref<1000012xf32, #tpu.memory_space<hbm>>) dst(%dma_wait3A_210 : memref<128xf32, #tpu.memory_space<vmem>>)
      %mul3A_216 = arith.constant 1024 : i32
      %mul3A_217 = arith.muli %and3A_191, %mul3A_216 : i32
      %add3A_218 = arith.constant 128 : i32
      %add3A_219 = arith.addi %mul3A_217, %add3A_218 : i32
      %dma_wait3A_220 = arith.constant 0 : i32
      %dma_wait3A_221 = arith.constant 0 : i32
      %dma_wait3A_222 = tpu.memref_slice %arg8[%add3A_219, %dma_wait3A_221] : memref<2048x16xf32, #tpu.memory_space<vmem>> -> memref<128x16xf32, #tpu.memory_space<vmem>>
      %dma_wait3A_223 = arith.constant 0 : i32
      %dma_wait3A_224 = tpu.memref_slice %arg7[%dma_wait3A_220, %dma_wait3A_223] : memref<104x128xi32, #tpu.memory_space<vmem>> -> memref<1x128xi32, #tpu.memory_space<vmem>>
      %dma_wait3A_225 = tpu.memref_squeeze %dma_wait3A_224 : memref<1x128xi32, #tpu.memory_space<vmem>> -> memref<128xi32, #tpu.memory_space<vmem>>
      %dma_wait3A_226 = arith.constant 0 : i32
      %dma_wait3A_227 = arith.constant 0 : i32
      %dma_wait3A_228 = tpu.memref_slice %arg3[%dma_wait3A_226, %dma_wait3A_227] : memref<1000012x16xf32, #tpu.memory_space<hbm>> -> memref<1000012x16xf32, #tpu.memory_space<hbm>>
      tpu.wait_indirect_dma semaphore(%arg10 : memref<!tpu.dma_semaphore, #tpu.memory_space<semaphore_mem>>) src(%dma_wait3A_228 : memref<1000012x16xf32, #tpu.memory_space<hbm>>) dst(%dma_wait3A_222 : memref<128x16xf32, #tpu.memory_space<vmem>>)
      %mul3A_229 = arith.constant 1024 : i32
      %mul3A_230 = arith.muli %and3A_191, %mul3A_229 : i32
      %add3A_231 = arith.constant 128 : i32
      %add3A_232 = arith.addi %mul3A_230, %add3A_231 : i32
      %dma_wait3A_233 = arith.constant 0 : i32
      %dma_wait3A_234 = tpu.memref_slice %arg9[%add3A_232] : memref<2048xf32, #tpu.memory_space<vmem>> -> memref<128xf32, #tpu.memory_space<vmem>>
      %dma_wait3A_235 = arith.constant 0 : i32
      %dma_wait3A_236 = tpu.memref_slice %arg7[%dma_wait3A_233, %dma_wait3A_235] : memref<104x128xi32, #tpu.memory_space<vmem>> -> memref<1x128xi32, #tpu.memory_space<vmem>>
      %dma_wait3A_237 = tpu.memref_squeeze %dma_wait3A_236 : memref<1x128xi32, #tpu.memory_space<vmem>> -> memref<128xi32, #tpu.memory_space<vmem>>
      %dma_wait3A_238 = arith.constant 0 : i32
      %dma_wait3A_239 = tpu.memref_slice %arg4[%dma_wait3A_238] : memref<1000012xf32, #tpu.memory_space<hbm>> -> memref<1000012xf32, #tpu.memory_space<hbm>>
      tpu.wait_indirect_dma semaphore(%arg11 : memref<!tpu.dma_semaphore, #tpu.memory_space<semaphore_mem>>) src(%dma_wait3A_239 : memref<1000012xf32, #tpu.memory_space<hbm>>) dst(%dma_wait3A_234 : memref<128xf32, #tpu.memory_space<vmem>>)
      %mul3A_240 = arith.constant 1024 : i32
      %mul3A_241 = arith.muli %and3A_191, %mul3A_240 : i32
      %add3A_242 = arith.constant 256 : i32
      %add3A_243 = arith.addi %mul3A_241, %add3A_242 : i32
      %dma_wait3A_244 = arith.constant 0 : i32
      %dma_wait3A_245 = arith.constant 0 : i32
      %dma_wait3A_246 = tpu.memref_slice %arg8[%add3A_243, %dma_wait3A_245] : memref<2048x16xf32, #tpu.memory_space<vmem>> -> memref<128x16xf32, #tpu.memory_space<vmem>>
      %dma_wait3A_247 = arith.constant 0 : i32
      %dma_wait3A_248 = tpu.memref_slice %arg7[%dma_wait3A_244, %dma_wait3A_247] : memref<104x128xi32, #tpu.memory_space<vmem>> -> memref<1x128xi32, #tpu.memory_space<vmem>>
      %dma_wait3A_249 = tpu.memref_squeeze %dma_wait3A_248 : memref<1x128xi32, #tpu.memory_space<vmem>> -> memref<128xi32, #tpu.memory_space<vmem>>
      %dma_wait3A_250 = arith.constant 0 : i32
      %dma_wait3A_251 = arith.constant 0 : i32
      %dma_wait3A_252 = tpu.memref_slice %arg3[%dma_wait3A_250, %dma_wait3A_251] : memref<1000012x16xf32, #tpu.memory_space<hbm>> -> memref<1000012x16xf32, #tpu.memory_space<hbm>>
      tpu.wait_indirect_dma semaphore(%arg10 : memref<!tpu.dma_semaphore, #tpu.memory_space<semaphore_mem>>) src(%dma_wait3A_252 : memref<1000012x16xf32, #tpu.memory_space<hbm>>) dst(%dma_wait3A_246 : memref<128x16xf32, #tpu.memory_space<vmem>>)
      %mul3A_253 = arith.constant 1024 : i32
      %mul3A_254 = arith.muli %and3A_191, %mul3A_253 : i32
      %add3A_255 = arith.constant 256 : i32
      %add3A_256 = arith.addi %mul3A_254, %add3A_255 : i32
      %dma_wait3A_257 = arith.constant 0 : i32
      %dma_wait3A_258 = tpu.memref_slice %arg9[%add3A_256] : memref<2048xf32, #tpu.memory_space<vmem>> -> memref<128xf32, #tpu.memory_space<vmem>>
      %dma_wait3A_259 = arith.constant 0 : i32
      %dma_wait3A_260 = tpu.memref_slice %arg7[%dma_wait3A_257, %dma_wait3A_259] : memref<104x128xi32, #tpu.memory_space<vmem>> -> memref<1x128xi32, #tpu.memory_space<vmem>>
      %dma_wait3A_261 = tpu.memref_squeeze %dma_wait3A_260 : memref<1x128xi32, #tpu.memory_space<vmem>> -> memref<128xi32, #tpu.memory_space<vmem>>
      %dma_wait3A_262 = arith.constant 0 : i32
      %dma_wait3A_263 = tpu.memref_slice %arg4[%dma_wait3A_262] : memref<1000012xf32, #tpu.memory_space<hbm>> -> memref<1000012xf32, #tpu.memory_space<hbm>>
      tpu.wait_indirect_dma semaphore(%arg11 : memref<!tpu.dma_semaphore, #tpu.memory_space<semaphore_mem>>) src(%dma_wait3A_263 : memref<1000012xf32, #tpu.memory_space<hbm>>) dst(%dma_wait3A_258 : memref<128xf32, #tpu.memory_space<vmem>>)
      %mul3A_264 = arith.constant 1024 : i32
      %mul3A_265 = arith.muli %and3A_191, %mul3A_264 : i32
      %add3A_266 = arith.constant 384 : i32
      %add3A_267 = arith.addi %mul3A_265, %add3A_266 : i32
      %dma_wait3A_268 = arith.constant 0 : i32
      %dma_wait3A_269 = arith.constant 0 : i32
      %dma_wait3A_270 = tpu.memref_slice %arg8[%add3A_267, %dma_wait3A_269] : memref<2048x16xf32, #tpu.memory_space<vmem>> -> memref<128x16xf32, #tpu.memory_space<vmem>>
      %dma_wait3A_271 = arith.constant 0 : i32
      %dma_wait3A_272 = tpu.memref_slice %arg7[%dma_wait3A_268, %dma_wait3A_271] : memref<104x128xi32, #tpu.memory_space<vmem>> -> memref<1x128xi32, #tpu.memory_space<vmem>>
      %dma_wait3A_273 = tpu.memref_squeeze %dma_wait3A_272 : memref<1x128xi32, #tpu.memory_space<vmem>> -> memref<128xi32, #tpu.memory_space<vmem>>
      %dma_wait3A_274 = arith.constant 0 : i32
      %dma_wait3A_275 = arith.constant 0 : i32
      %dma_wait3A_276 = tpu.memref_slice %arg3[%dma_wait3A_274, %dma_wait3A_275] : memref<1000012x16xf32, #tpu.memory_space<hbm>> -> memref<1000012x16xf32, #tpu.memory_space<hbm>>
      tpu.wait_indirect_dma semaphore(%arg10 : memref<!tpu.dma_semaphore, #tpu.memory_space<semaphore_mem>>) src(%dma_wait3A_276 : memref<1000012x16xf32, #tpu.memory_space<hbm>>) dst(%dma_wait3A_270 : memref<128x16xf32, #tpu.memory_space<vmem>>)
      %mul3A_277 = arith.constant 1024 : i32
      %mul3A_278 = arith.muli %and3A_191, %mul3A_277 : i32
      %add3A_279 = arith.constant 384 : i32
      %add3A_280 = arith.addi %mul3A_278, %add3A_279 : i32
      %dma_wait3A_281 = arith.constant 0 : i32
      %dma_wait3A_282 = tpu.memref_slice %arg9[%add3A_280] : memref<2048xf32, #tpu.memory_space<vmem>> -> memref<128xf32, #tpu.memory_space<vmem>>
      %dma_wait3A_283 = arith.constant 0 : i32
      %dma_wait3A_284 = tpu.memref_slice %arg7[%dma_wait3A_281, %dma_wait3A_283] : memref<104x128xi32, #tpu.memory_space<vmem>> -> memref<1x128xi32, #tpu.memory_space<vmem>>
      %dma_wait3A_285 = tpu.memref_squeeze %dma_wait3A_284 : memref<1x128xi32, #tpu.memory_space<vmem>> -> memref<128xi32, #tpu.memory_space<vmem>>
      %dma_wait3A_286 = arith.constant 0 : i32
      %dma_wait3A_287 = tpu.memref_slice %arg4[%dma_wait3A_286] : memref<1000012xf32, #tpu.memory_space<hbm>> -> memref<1000012xf32, #tpu.memory_space<hbm>>
      tpu.wait_indirect_dma semaphore(%arg11 : memref<!tpu.dma_semaphore, #tpu.memory_space<semaphore_mem>>) src(%dma_wait3A_287 : memref<1000012xf32, #tpu.memory_space<hbm>>) dst(%dma_wait3A_282 : memref<128xf32, #tpu.memory_space<vmem>>)
      %mul3A_288 = arith.constant 1024 : i32
      %mul3A_289 = arith.muli %and3A_191, %mul3A_288 : i32
      %add3A_290 = arith.constant 512 : i32
      %add3A_291 = arith.addi %mul3A_289, %add3A_290 : i32
      %dma_wait3A_292 = arith.constant 0 : i32
      %dma_wait3A_293 = arith.constant 0 : i32
      %dma_wait3A_294 = tpu.memref_slice %arg8[%add3A_291, %dma_wait3A_293] : memref<2048x16xf32, #tpu.memory_space<vmem>> -> memref<128x16xf32, #tpu.memory_space<vmem>>
      %dma_wait3A_295 = arith.constant 0 : i32
      %dma_wait3A_296 = tpu.memref_slice %arg7[%dma_wait3A_292, %dma_wait3A_295] : memref<104x128xi32, #tpu.memory_space<vmem>> -> memref<1x128xi32, #tpu.memory_space<vmem>>
      %dma_wait3A_297 = tpu.memref_squeeze %dma_wait3A_296 : memref<1x128xi32, #tpu.memory_space<vmem>> -> memref<128xi32, #tpu.memory_space<vmem>>
      %dma_wait3A_298 = arith.constant 0 : i32
      %dma_wait3A_299 = arith.constant 0 : i32
      %dma_wait3A_300 = tpu.memref_slice %arg3[%dma_wait3A_298, %dma_wait3A_299] : memref<1000012x16xf32, #tpu.memory_space<hbm>> -> memref<1000012x16xf32, #tpu.memory_space<hbm>>
      tpu.wait_indirect_dma semaphore(%arg10 : memref<!tpu.dma_semaphore, #tpu.memory_space<semaphore_mem>>) src(%dma_wait3A_300 : memref<1000012x16xf32, #tpu.memory_space<hbm>>) dst(%dma_wait3A_294 : memref<128x16xf32, #tpu.memory_space<vmem>>)
      %mul3A_301 = arith.constant 1024 : i32
      %mul3A_302 = arith.muli %and3A_191, %mul3A_301 : i32
      %add3A_303 = arith.constant 512 : i32
      %add3A_304 = arith.addi %mul3A_302, %add3A_303 : i32
      %dma_wait3A_305 = arith.constant 0 : i32
      %dma_wait3A_306 = tpu.memref_slice %arg9[%add3A_304] : memref<2048xf32, #tpu.memory_space<vmem>> -> memref<128xf32, #tpu.memory_space<vmem>>
      %dma_wait3A_307 = arith.constant 0 : i32
      %dma_wait3A_308 = tpu.memref_slice %arg7[%dma_wait3A_305, %dma_wait3A_307] : memref<104x128xi32, #tpu.memory_space<vmem>> -> memref<1x128xi32, #tpu.memory_space<vmem>>
      %dma_wait3A_309 = tpu.memref_squeeze %dma_wait3A_308 : memref<1x128xi32, #tpu.memory_space<vmem>> -> memref<128xi32, #tpu.memory_space<vmem>>
      %dma_wait3A_310 = arith.constant 0 : i32
      %dma_wait3A_311 = tpu.memref_slice %arg4[%dma_wait3A_310] : memref<1000012xf32, #tpu.memory_space<hbm>> -> memref<1000012xf32, #tpu.memory_space<hbm>>
      tpu.wait_indirect_dma semaphore(%arg11 : memref<!tpu.dma_semaphore, #tpu.memory_space<semaphore_mem>>) src(%dma_wait3A_311 : memref<1000012xf32, #tpu.memory_space<hbm>>) dst(%dma_wait3A_306 : memref<128xf32, #tpu.memory_space<vmem>>)
      %mul3A_312 = arith.constant 1024 : i32
      %mul3A_313 = arith.muli %and3A_191, %mul3A_312 : i32
      %add3A_314 = arith.constant 640 : i32
      %add3A_315 = arith.addi %mul3A_313, %add3A_314 : i32
      %dma_wait3A_316 = arith.constant 0 : i32
      %dma_wait3A_317 = arith.constant 0 : i32
      %dma_wait3A_318 = tpu.memref_slice %arg8[%add3A_315, %dma_wait3A_317] : memref<2048x16xf32, #tpu.memory_space<vmem>> -> memref<128x16xf32, #tpu.memory_space<vmem>>
      %dma_wait3A_319 = arith.constant 0 : i32
      %dma_wait3A_320 = tpu.memref_slice %arg7[%dma_wait3A_316, %dma_wait3A_319] : memref<104x128xi32, #tpu.memory_space<vmem>> -> memref<1x128xi32, #tpu.memory_space<vmem>>
      %dma_wait3A_321 = tpu.memref_squeeze %dma_wait3A_320 : memref<1x128xi32, #tpu.memory_space<vmem>> -> memref<128xi32, #tpu.memory_space<vmem>>
      %dma_wait3A_322 = arith.constant 0 : i32
      %dma_wait3A_323 = arith.constant 0 : i32
      %dma_wait3A_324 = tpu.memref_slice %arg3[%dma_wait3A_322, %dma_wait3A_323] : memref<1000012x16xf32, #tpu.memory_space<hbm>> -> memref<1000012x16xf32, #tpu.memory_space<hbm>>
      tpu.wait_indirect_dma semaphore(%arg10 : memref<!tpu.dma_semaphore, #tpu.memory_space<semaphore_mem>>) src(%dma_wait3A_324 : memref<1000012x16xf32, #tpu.memory_space<hbm>>) dst(%dma_wait3A_318 : memref<128x16xf32, #tpu.memory_space<vmem>>)
      %mul3A_325 = arith.constant 1024 : i32
      %mul3A_326 = arith.muli %and3A_191, %mul3A_325 : i32
      %add3A_327 = arith.constant 640 : i32
      %add3A_328 = arith.addi %mul3A_326, %add3A_327 : i32
      %dma_wait3A_329 = arith.constant 0 : i32
      %dma_wait3A_330 = tpu.memref_slice %arg9[%add3A_328] : memref<2048xf32, #tpu.memory_space<vmem>> -> memref<128xf32, #tpu.memory_space<vmem>>
      %dma_wait3A_331 = arith.constant 0 : i32
      %dma_wait3A_332 = tpu.memref_slice %arg7[%dma_wait3A_329, %dma_wait3A_331] : memref<104x128xi32, #tpu.memory_space<vmem>> -> memref<1x128xi32, #tpu.memory_space<vmem>>
      %dma_wait3A_333 = tpu.memref_squeeze %dma_wait3A_332 : memref<1x128xi32, #tpu.memory_space<vmem>> -> memref<128xi32, #tpu.memory_space<vmem>>
      %dma_wait3A_334 = arith.constant 0 : i32
      %dma_wait3A_335 = tpu.memref_slice %arg4[%dma_wait3A_334] : memref<1000012xf32, #tpu.memory_space<hbm>> -> memref<1000012xf32, #tpu.memory_space<hbm>>
      tpu.wait_indirect_dma semaphore(%arg11 : memref<!tpu.dma_semaphore, #tpu.memory_space<semaphore_mem>>) src(%dma_wait3A_335 : memref<1000012xf32, #tpu.memory_space<hbm>>) dst(%dma_wait3A_330 : memref<128xf32, #tpu.memory_space<vmem>>)
      %mul3A_336 = arith.constant 1024 : i32
      %mul3A_337 = arith.muli %and3A_191, %mul3A_336 : i32
      %add3A_338 = arith.constant 768 : i32
      %add3A_339 = arith.addi %mul3A_337, %add3A_338 : i32
      %dma_wait3A_340 = arith.constant 0 : i32
      %dma_wait3A_341 = arith.constant 0 : i32
      %dma_wait3A_342 = tpu.memref_slice %arg8[%add3A_339, %dma_wait3A_341] : memref<2048x16xf32, #tpu.memory_space<vmem>> -> memref<128x16xf32, #tpu.memory_space<vmem>>
      %dma_wait3A_343 = arith.constant 0 : i32
      %dma_wait3A_344 = tpu.memref_slice %arg7[%dma_wait3A_340, %dma_wait3A_343] : memref<104x128xi32, #tpu.memory_space<vmem>> -> memref<1x128xi32, #tpu.memory_space<vmem>>
      %dma_wait3A_345 = tpu.memref_squeeze %dma_wait3A_344 : memref<1x128xi32, #tpu.memory_space<vmem>> -> memref<128xi32, #tpu.memory_space<vmem>>
      %dma_wait3A_346 = arith.constant 0 : i32
      %dma_wait3A_347 = arith.constant 0 : i32
      %dma_wait3A_348 = tpu.memref_slice %arg3[%dma_wait3A_346, %dma_wait3A_347] : memref<1000012x16xf32, #tpu.memory_space<hbm>> -> memref<1000012x16xf32, #tpu.memory_space<hbm>>
      tpu.wait_indirect_dma semaphore(%arg10 : memref<!tpu.dma_semaphore, #tpu.memory_space<semaphore_mem>>) src(%dma_wait3A_348 : memref<1000012x16xf32, #tpu.memory_space<hbm>>) dst(%dma_wait3A_342 : memref<128x16xf32, #tpu.memory_space<vmem>>)
      %mul3A_349 = arith.constant 1024 : i32
      %mul3A_350 = arith.muli %and3A_191, %mul3A_349 : i32
      %add3A_351 = arith.constant 768 : i32
      %add3A_352 = arith.addi %mul3A_350, %add3A_351 : i32
      %dma_wait3A_353 = arith.constant 0 : i32
      %dma_wait3A_354 = tpu.memref_slice %arg9[%add3A_352] : memref<2048xf32, #tpu.memory_space<vmem>> -> memref<128xf32, #tpu.memory_space<vmem>>
      %dma_wait3A_355 = arith.constant 0 : i32
      %dma_wait3A_356 = tpu.memref_slice %arg7[%dma_wait3A_353, %dma_wait3A_355] : memref<104x128xi32, #tpu.memory_space<vmem>> -> memref<1x128xi32, #tpu.memory_space<vmem>>
      %dma_wait3A_357 = tpu.memref_squeeze %dma_wait3A_356 : memref<1x128xi32, #tpu.memory_space<vmem>> -> memref<128xi32, #tpu.memory_space<vmem>>
      %dma_wait3A_358 = arith.constant 0 : i32
      %dma_wait3A_359 = tpu.memref_slice %arg4[%dma_wait3A_358] : memref<1000012xf32, #tpu.memory_space<hbm>> -> memref<1000012xf32, #tpu.memory_space<hbm>>
      tpu.wait_indirect_dma semaphore(%arg11 : memref<!tpu.dma_semaphore, #tpu.memory_space<semaphore_mem>>) src(%dma_wait3A_359 : memref<1000012xf32, #tpu.memory_space<hbm>>) dst(%dma_wait3A_354 : memref<128xf32, #tpu.memory_space<vmem>>)
      %mul3A_360 = arith.constant 1024 : i32
      %mul3A_361 = arith.muli %and3A_191, %mul3A_360 : i32
      %add3A_362 = arith.constant 896 : i32
      %add3A_363 = arith.addi %mul3A_361, %add3A_362 : i32
      %dma_wait3A_364 = arith.constant 0 : i32
      %dma_wait3A_365 = arith.constant 0 : i32
      %dma_wait3A_366 = tpu.memref_slice %arg8[%add3A_363, %dma_wait3A_365] : memref<2048x16xf32, #tpu.memory_space<vmem>> -> memref<128x16xf32, #tpu.memory_space<vmem>>
      %dma_wait3A_367 = arith.constant 0 : i32
      %dma_wait3A_368 = tpu.memref_slice %arg7[%dma_wait3A_364, %dma_wait3A_367] : memref<104x128xi32, #tpu.memory_space<vmem>> -> memref<1x128xi32, #tpu.memory_space<vmem>>
      %dma_wait3A_369 = tpu.memref_squeeze %dma_wait3A_368 : memref<1x128xi32, #tpu.memory_space<vmem>> -> memref<128xi32, #tpu.memory_space<vmem>>
      %dma_wait3A_370 = arith.constant 0 : i32
      %dma_wait3A_371 = arith.constant 0 : i32
      %dma_wait3A_372 = tpu.memref_slice %arg3[%dma_wait3A_370, %dma_wait3A_371] : memref<1000012x16xf32, #tpu.memory_space<hbm>> -> memref<1000012x16xf32, #tpu.memory_space<hbm>>
      tpu.wait_indirect_dma semaphore(%arg10 : memref<!tpu.dma_semaphore, #tpu.memory_space<semaphore_mem>>) src(%dma_wait3A_372 : memref<1000012x16xf32, #tpu.memory_space<hbm>>) dst(%dma_wait3A_366 : memref<128x16xf32, #tpu.memory_space<vmem>>)
      %mul3A_373 = arith.constant 1024 : i32
      %mul3A_374 = arith.muli %and3A_191, %mul3A_373 : i32
      %add3A_375 = arith.constant 896 : i32
      %add3A_376 = arith.addi %mul3A_374, %add3A_375 : i32
      %dma_wait3A_377 = arith.constant 0 : i32
      %dma_wait3A_378 = tpu.memref_slice %arg9[%add3A_376] : memref<2048xf32, #tpu.memory_space<vmem>> -> memref<128xf32, #tpu.memory_space<vmem>>
      %dma_wait3A_379 = arith.constant 0 : i32
      %dma_wait3A_380 = tpu.memref_slice %arg7[%dma_wait3A_377, %dma_wait3A_379] : memref<104x128xi32, #tpu.memory_space<vmem>> -> memref<1x128xi32, #tpu.memory_space<vmem>>
      %dma_wait3A_381 = tpu.memref_squeeze %dma_wait3A_380 : memref<1x128xi32, #tpu.memory_space<vmem>> -> memref<128xi32, #tpu.memory_space<vmem>>
      %dma_wait3A_382 = arith.constant 0 : i32
      %dma_wait3A_383 = tpu.memref_slice %arg4[%dma_wait3A_382] : memref<1000012xf32, #tpu.memory_space<hbm>> -> memref<1000012xf32, #tpu.memory_space<hbm>>
      tpu.wait_indirect_dma semaphore(%arg11 : memref<!tpu.dma_semaphore, #tpu.memory_space<semaphore_mem>>) src(%dma_wait3A_383 : memref<1000012xf32, #tpu.memory_space<hbm>>) dst(%dma_wait3A_378 : memref<128xf32, #tpu.memory_space<vmem>>)
      %add3A_384 = arith.constant 1 : i32
      %add3A_385 = arith.addi %scan3A_190, %add3A_384 : i32
      %lt3A = arith.constant 13 : i32
      %lt3A_386 = arith.cmpi slt, %add3A_385, %lt3A : i32
      %convert_element_type3A = arith.extui %lt3A_386 : i1 to i32
      %cond3A = arith.constant 0 : i32
      %cond3A_387 = arith.cmpi ne, %convert_element_type3A, %cond3A : i32
      scf.if %cond3A_387 {
        %add3A_413 = arith.constant 1 : i32
        %add3A_414 = arith.addi %scan3A_190, %add3A_413 : i32
        %xor3A = arith.constant 1 : i32
        %xor3A_415 = arith.xori %and3A_191, %xor3A : i32
        %mul3A_416 = arith.constant 8 : i32
        %mul3A_417 = arith.muli %add3A_414, %mul3A_416 : i32
        %add3A_418 = arith.constant 0 : i32
        %add3A_419 = arith.addi %mul3A_417, %add3A_418 : i32
        %mul3A_420 = arith.constant 1024 : i32
        %mul3A_421 = arith.muli %xor3A_415, %mul3A_420 : i32
        %add3A_422 = arith.constant 0 : i32
        %add3A_423 = arith.addi %mul3A_421, %add3A_422 : i32
        %dma_start3A_424 = arith.constant 0 : i32
        %dma_start3A_425 = tpu.memref_slice %arg8[%add3A_423, %dma_start3A_424] : memref<2048x16xf32, #tpu.memory_space<vmem>> -> memref<128x16xf32, #tpu.memory_space<vmem>>
        %dma_start3A_426 = arith.constant 0 : i32
        %dma_start3A_427 = tpu.memref_slice %arg7[%add3A_419, %dma_start3A_426] : memref<104x128xi32, #tpu.memory_space<vmem>> -> memref<1x128xi32, #tpu.memory_space<vmem>>
        %dma_start3A_428 = tpu.memref_squeeze %dma_start3A_427 : memref<1x128xi32, #tpu.memory_space<vmem>> -> memref<128xi32, #tpu.memory_space<vmem>>
        %dma_start3A_429 = arith.constant 0 : i32
        %dma_start3A_430 = arith.constant 0 : i32
        %dma_start3A_431 = tpu.memref_slice %arg3[%dma_start3A_429, %dma_start3A_430] : memref<1000012x16xf32, #tpu.memory_space<hbm>> -> memref<1000012x16xf32, #tpu.memory_space<hbm>>
        tpu.enqueue_indirect_dma source(%dma_start3A_431 : memref<1000012x16xf32, #tpu.memory_space<hbm>>) target(%dma_start3A_425 : memref<128x16xf32, #tpu.memory_space<vmem>>) offsets(%dma_start3A_428 : memref<128xi32, #tpu.memory_space<vmem>>) semaphore(%arg10 : memref<!tpu.dma_semaphore, #tpu.memory_space<semaphore_mem>>)
        %mul3A_432 = arith.constant 1024 : i32
        %mul3A_433 = arith.muli %xor3A_415, %mul3A_432 : i32
        %add3A_434 = arith.constant 0 : i32
        %add3A_435 = arith.addi %mul3A_433, %add3A_434 : i32
        %dma_start3A_436 = tpu.memref_slice %arg9[%add3A_435] : memref<2048xf32, #tpu.memory_space<vmem>> -> memref<128xf32, #tpu.memory_space<vmem>>
        %dma_start3A_437 = arith.constant 0 : i32
        %dma_start3A_438 = tpu.memref_slice %arg7[%add3A_419, %dma_start3A_437] : memref<104x128xi32, #tpu.memory_space<vmem>> -> memref<1x128xi32, #tpu.memory_space<vmem>>
        %dma_start3A_439 = tpu.memref_squeeze %dma_start3A_438 : memref<1x128xi32, #tpu.memory_space<vmem>> -> memref<128xi32, #tpu.memory_space<vmem>>
        %dma_start3A_440 = arith.constant 0 : i32
        %dma_start3A_441 = tpu.memref_slice %arg4[%dma_start3A_440] : memref<1000012xf32, #tpu.memory_space<hbm>> -> memref<1000012xf32, #tpu.memory_space<hbm>>
        tpu.enqueue_indirect_dma source(%dma_start3A_441 : memref<1000012xf32, #tpu.memory_space<hbm>>) target(%dma_start3A_436 : memref<128xf32, #tpu.memory_space<vmem>>) offsets(%dma_start3A_439 : memref<128xi32, #tpu.memory_space<vmem>>) semaphore(%arg11 : memref<!tpu.dma_semaphore, #tpu.memory_space<semaphore_mem>>)
        %mul3A_442 = arith.constant 8 : i32
        %mul3A_443 = arith.muli %add3A_414, %mul3A_442 : i32
        %add3A_444 = arith.constant 1 : i32
        %add3A_445 = arith.addi %mul3A_443, %add3A_444 : i32
        %mul3A_446 = arith.constant 1024 : i32
        %mul3A_447 = arith.muli %xor3A_415, %mul3A_446 : i32
        %add3A_448 = arith.constant 128 : i32
        %add3A_449 = arith.addi %mul3A_447, %add3A_448 : i32
        %dma_start3A_450 = arith.constant 0 : i32
        %dma_start3A_451 = tpu.memref_slice %arg8[%add3A_449, %dma_start3A_450] : memref<2048x16xf32, #tpu.memory_space<vmem>> -> memref<128x16xf32, #tpu.memory_space<vmem>>
        %dma_start3A_452 = arith.constant 0 : i32
        %dma_start3A_453 = tpu.memref_slice %arg7[%add3A_445, %dma_start3A_452] : memref<104x128xi32, #tpu.memory_space<vmem>> -> memref<1x128xi32, #tpu.memory_space<vmem>>
        %dma_start3A_454 = tpu.memref_squeeze %dma_start3A_453 : memref<1x128xi32, #tpu.memory_space<vmem>> -> memref<128xi32, #tpu.memory_space<vmem>>
        %dma_start3A_455 = arith.constant 0 : i32
        %dma_start3A_456 = arith.constant 0 : i32
        %dma_start3A_457 = tpu.memref_slice %arg3[%dma_start3A_455, %dma_start3A_456] : memref<1000012x16xf32, #tpu.memory_space<hbm>> -> memref<1000012x16xf32, #tpu.memory_space<hbm>>
        tpu.enqueue_indirect_dma source(%dma_start3A_457 : memref<1000012x16xf32, #tpu.memory_space<hbm>>) target(%dma_start3A_451 : memref<128x16xf32, #tpu.memory_space<vmem>>) offsets(%dma_start3A_454 : memref<128xi32, #tpu.memory_space<vmem>>) semaphore(%arg10 : memref<!tpu.dma_semaphore, #tpu.memory_space<semaphore_mem>>)
        %mul3A_458 = arith.constant 1024 : i32
        %mul3A_459 = arith.muli %xor3A_415, %mul3A_458 : i32
        %add3A_460 = arith.constant 128 : i32
        %add3A_461 = arith.addi %mul3A_459, %add3A_460 : i32
        %dma_start3A_462 = tpu.memref_slice %arg9[%add3A_461] : memref<2048xf32, #tpu.memory_space<vmem>> -> memref<128xf32, #tpu.memory_space<vmem>>
        %dma_start3A_463 = arith.constant 0 : i32
        %dma_start3A_464 = tpu.memref_slice %arg7[%add3A_445, %dma_start3A_463] : memref<104x128xi32, #tpu.memory_space<vmem>> -> memref<1x128xi32, #tpu.memory_space<vmem>>
        %dma_start3A_465 = tpu.memref_squeeze %dma_start3A_464 : memref<1x128xi32, #tpu.memory_space<vmem>> -> memref<128xi32, #tpu.memory_space<vmem>>
        %dma_start3A_466 = arith.constant 0 : i32
        %dma_start3A_467 = tpu.memref_slice %arg4[%dma_start3A_466] : memref<1000012xf32, #tpu.memory_space<hbm>> -> memref<1000012xf32, #tpu.memory_space<hbm>>
        tpu.enqueue_indirect_dma source(%dma_start3A_467 : memref<1000012xf32, #tpu.memory_space<hbm>>) target(%dma_start3A_462 : memref<128xf32, #tpu.memory_space<vmem>>) offsets(%dma_start3A_465 : memref<128xi32, #tpu.memory_space<vmem>>) semaphore(%arg11 : memref<!tpu.dma_semaphore, #tpu.memory_space<semaphore_mem>>)
        %mul3A_468 = arith.constant 8 : i32
        %mul3A_469 = arith.muli %add3A_414, %mul3A_468 : i32
        %add3A_470 = arith.constant 2 : i32
        %add3A_471 = arith.addi %mul3A_469, %add3A_470 : i32
        %mul3A_472 = arith.constant 1024 : i32
        %mul3A_473 = arith.muli %xor3A_415, %mul3A_472 : i32
        %add3A_474 = arith.constant 256 : i32
        %add3A_475 = arith.addi %mul3A_473, %add3A_474 : i32
        %dma_start3A_476 = arith.constant 0 : i32
        %dma_start3A_477 = tpu.memref_slice %arg8[%add3A_475, %dma_start3A_476] : memref<2048x16xf32, #tpu.memory_space<vmem>> -> memref<128x16xf32, #tpu.memory_space<vmem>>
        %dma_start3A_478 = arith.constant 0 : i32
        %dma_start3A_479 = tpu.memref_slice %arg7[%add3A_471, %dma_start3A_478] : memref<104x128xi32, #tpu.memory_space<vmem>> -> memref<1x128xi32, #tpu.memory_space<vmem>>
        %dma_start3A_480 = tpu.memref_squeeze %dma_start3A_479 : memref<1x128xi32, #tpu.memory_space<vmem>> -> memref<128xi32, #tpu.memory_space<vmem>>
        %dma_start3A_481 = arith.constant 0 : i32
        %dma_start3A_482 = arith.constant 0 : i32
        %dma_start3A_483 = tpu.memref_slice %arg3[%dma_start3A_481, %dma_start3A_482] : memref<1000012x16xf32, #tpu.memory_space<hbm>> -> memref<1000012x16xf32, #tpu.memory_space<hbm>>
        tpu.enqueue_indirect_dma source(%dma_start3A_483 : memref<1000012x16xf32, #tpu.memory_space<hbm>>) target(%dma_start3A_477 : memref<128x16xf32, #tpu.memory_space<vmem>>) offsets(%dma_start3A_480 : memref<128xi32, #tpu.memory_space<vmem>>) semaphore(%arg10 : memref<!tpu.dma_semaphore, #tpu.memory_space<semaphore_mem>>)
        %mul3A_484 = arith.constant 1024 : i32
        %mul3A_485 = arith.muli %xor3A_415, %mul3A_484 : i32
        %add3A_486 = arith.constant 256 : i32
        %add3A_487 = arith.addi %mul3A_485, %add3A_486 : i32
        %dma_start3A_488 = tpu.memref_slice %arg9[%add3A_487] : memref<2048xf32, #tpu.memory_space<vmem>> -> memref<128xf32, #tpu.memory_space<vmem>>
        %dma_start3A_489 = arith.constant 0 : i32
        %dma_start3A_490 = tpu.memref_slice %arg7[%add3A_471, %dma_start3A_489] : memref<104x128xi32, #tpu.memory_space<vmem>> -> memref<1x128xi32, #tpu.memory_space<vmem>>
        %dma_start3A_491 = tpu.memref_squeeze %dma_start3A_490 : memref<1x128xi32, #tpu.memory_space<vmem>> -> memref<128xi32, #tpu.memory_space<vmem>>
        %dma_start3A_492 = arith.constant 0 : i32
        %dma_start3A_493 = tpu.memref_slice %arg4[%dma_start3A_492] : memref<1000012xf32, #tpu.memory_space<hbm>> -> memref<1000012xf32, #tpu.memory_space<hbm>>
        tpu.enqueue_indirect_dma source(%dma_start3A_493 : memref<1000012xf32, #tpu.memory_space<hbm>>) target(%dma_start3A_488 : memref<128xf32, #tpu.memory_space<vmem>>) offsets(%dma_start3A_491 : memref<128xi32, #tpu.memory_space<vmem>>) semaphore(%arg11 : memref<!tpu.dma_semaphore, #tpu.memory_space<semaphore_mem>>)
        %mul3A_494 = arith.constant 8 : i32
        %mul3A_495 = arith.muli %add3A_414, %mul3A_494 : i32
        %add3A_496 = arith.constant 3 : i32
        %add3A_497 = arith.addi %mul3A_495, %add3A_496 : i32
        %mul3A_498 = arith.constant 1024 : i32
        %mul3A_499 = arith.muli %xor3A_415, %mul3A_498 : i32
        %add3A_500 = arith.constant 384 : i32
        %add3A_501 = arith.addi %mul3A_499, %add3A_500 : i32
        %dma_start3A_502 = arith.constant 0 : i32
        %dma_start3A_503 = tpu.memref_slice %arg8[%add3A_501, %dma_start3A_502] : memref<2048x16xf32, #tpu.memory_space<vmem>> -> memref<128x16xf32, #tpu.memory_space<vmem>>
        %dma_start3A_504 = arith.constant 0 : i32
        %dma_start3A_505 = tpu.memref_slice %arg7[%add3A_497, %dma_start3A_504] : memref<104x128xi32, #tpu.memory_space<vmem>> -> memref<1x128xi32, #tpu.memory_space<vmem>>
        %dma_start3A_506 = tpu.memref_squeeze %dma_start3A_505 : memref<1x128xi32, #tpu.memory_space<vmem>> -> memref<128xi32, #tpu.memory_space<vmem>>
        %dma_start3A_507 = arith.constant 0 : i32
        %dma_start3A_508 = arith.constant 0 : i32
        %dma_start3A_509 = tpu.memref_slice %arg3[%dma_start3A_507, %dma_start3A_508] : memref<1000012x16xf32, #tpu.memory_space<hbm>> -> memref<1000012x16xf32, #tpu.memory_space<hbm>>
        tpu.enqueue_indirect_dma source(%dma_start3A_509 : memref<1000012x16xf32, #tpu.memory_space<hbm>>) target(%dma_start3A_503 : memref<128x16xf32, #tpu.memory_space<vmem>>) offsets(%dma_start3A_506 : memref<128xi32, #tpu.memory_space<vmem>>) semaphore(%arg10 : memref<!tpu.dma_semaphore, #tpu.memory_space<semaphore_mem>>)
        %mul3A_510 = arith.constant 1024 : i32
        %mul3A_511 = arith.muli %xor3A_415, %mul3A_510 : i32
        %add3A_512 = arith.constant 384 : i32
        %add3A_513 = arith.addi %mul3A_511, %add3A_512 : i32
        %dma_start3A_514 = tpu.memref_slice %arg9[%add3A_513] : memref<2048xf32, #tpu.memory_space<vmem>> -> memref<128xf32, #tpu.memory_space<vmem>>
        %dma_start3A_515 = arith.constant 0 : i32
        %dma_start3A_516 = tpu.memref_slice %arg7[%add3A_497, %dma_start3A_515] : memref<104x128xi32, #tpu.memory_space<vmem>> -> memref<1x128xi32, #tpu.memory_space<vmem>>
        %dma_start3A_517 = tpu.memref_squeeze %dma_start3A_516 : memref<1x128xi32, #tpu.memory_space<vmem>> -> memref<128xi32, #tpu.memory_space<vmem>>
        %dma_start3A_518 = arith.constant 0 : i32
        %dma_start3A_519 = tpu.memref_slice %arg4[%dma_start3A_518] : memref<1000012xf32, #tpu.memory_space<hbm>> -> memref<1000012xf32, #tpu.memory_space<hbm>>
        tpu.enqueue_indirect_dma source(%dma_start3A_519 : memref<1000012xf32, #tpu.memory_space<hbm>>) target(%dma_start3A_514 : memref<128xf32, #tpu.memory_space<vmem>>) offsets(%dma_start3A_517 : memref<128xi32, #tpu.memory_space<vmem>>) semaphore(%arg11 : memref<!tpu.dma_semaphore, #tpu.memory_space<semaphore_mem>>)
        %mul3A_520 = arith.constant 8 : i32
        %mul3A_521 = arith.muli %add3A_414, %mul3A_520 : i32
        %add3A_522 = arith.constant 4 : i32
        %add3A_523 = arith.addi %mul3A_521, %add3A_522 : i32
        %mul3A_524 = arith.constant 1024 : i32
        %mul3A_525 = arith.muli %xor3A_415, %mul3A_524 : i32
        %add3A_526 = arith.constant 512 : i32
        %add3A_527 = arith.addi %mul3A_525, %add3A_526 : i32
        %dma_start3A_528 = arith.constant 0 : i32
        %dma_start3A_529 = tpu.memref_slice %arg8[%add3A_527, %dma_start3A_528] : memref<2048x16xf32, #tpu.memory_space<vmem>> -> memref<128x16xf32, #tpu.memory_space<vmem>>
        %dma_start3A_530 = arith.constant 0 : i32
        %dma_start3A_531 = tpu.memref_slice %arg7[%add3A_523, %dma_start3A_530] : memref<104x128xi32, #tpu.memory_space<vmem>> -> memref<1x128xi32, #tpu.memory_space<vmem>>
        %dma_start3A_532 = tpu.memref_squeeze %dma_start3A_531 : memref<1x128xi32, #tpu.memory_space<vmem>> -> memref<128xi32, #tpu.memory_space<vmem>>
        %dma_start3A_533 = arith.constant 0 : i32
        %dma_start3A_534 = arith.constant 0 : i32
        %dma_start3A_535 = tpu.memref_slice %arg3[%dma_start3A_533, %dma_start3A_534] : memref<1000012x16xf32, #tpu.memory_space<hbm>> -> memref<1000012x16xf32, #tpu.memory_space<hbm>>
        tpu.enqueue_indirect_dma source(%dma_start3A_535 : memref<1000012x16xf32, #tpu.memory_space<hbm>>) target(%dma_start3A_529 : memref<128x16xf32, #tpu.memory_space<vmem>>) offsets(%dma_start3A_532 : memref<128xi32, #tpu.memory_space<vmem>>) semaphore(%arg10 : memref<!tpu.dma_semaphore, #tpu.memory_space<semaphore_mem>>)
        %mul3A_536 = arith.constant 1024 : i32
        %mul3A_537 = arith.muli %xor3A_415, %mul3A_536 : i32
        %add3A_538 = arith.constant 512 : i32
        %add3A_539 = arith.addi %mul3A_537, %add3A_538 : i32
        %dma_start3A_540 = tpu.memref_slice %arg9[%add3A_539] : memref<2048xf32, #tpu.memory_space<vmem>> -> memref<128xf32, #tpu.memory_space<vmem>>
        %dma_start3A_541 = arith.constant 0 : i32
        %dma_start3A_542 = tpu.memref_slice %arg7[%add3A_523, %dma_start3A_541] : memref<104x128xi32, #tpu.memory_space<vmem>> -> memref<1x128xi32, #tpu.memory_space<vmem>>
        %dma_start3A_543 = tpu.memref_squeeze %dma_start3A_542 : memref<1x128xi32, #tpu.memory_space<vmem>> -> memref<128xi32, #tpu.memory_space<vmem>>
        %dma_start3A_544 = arith.constant 0 : i32
        %dma_start3A_545 = tpu.memref_slice %arg4[%dma_start3A_544] : memref<1000012xf32, #tpu.memory_space<hbm>> -> memref<1000012xf32, #tpu.memory_space<hbm>>
        tpu.enqueue_indirect_dma source(%dma_start3A_545 : memref<1000012xf32, #tpu.memory_space<hbm>>) target(%dma_start3A_540 : memref<128xf32, #tpu.memory_space<vmem>>) offsets(%dma_start3A_543 : memref<128xi32, #tpu.memory_space<vmem>>) semaphore(%arg11 : memref<!tpu.dma_semaphore, #tpu.memory_space<semaphore_mem>>)
        %mul3A_546 = arith.constant 8 : i32
        %mul3A_547 = arith.muli %add3A_414, %mul3A_546 : i32
        %add3A_548 = arith.constant 5 : i32
        %add3A_549 = arith.addi %mul3A_547, %add3A_548 : i32
        %mul3A_550 = arith.constant 1024 : i32
        %mul3A_551 = arith.muli %xor3A_415, %mul3A_550 : i32
        %add3A_552 = arith.constant 640 : i32
        %add3A_553 = arith.addi %mul3A_551, %add3A_552 : i32
        %dma_start3A_554 = arith.constant 0 : i32
        %dma_start3A_555 = tpu.memref_slice %arg8[%add3A_553, %dma_start3A_554] : memref<2048x16xf32, #tpu.memory_space<vmem>> -> memref<128x16xf32, #tpu.memory_space<vmem>>
        %dma_start3A_556 = arith.constant 0 : i32
        %dma_start3A_557 = tpu.memref_slice %arg7[%add3A_549, %dma_start3A_556] : memref<104x128xi32, #tpu.memory_space<vmem>> -> memref<1x128xi32, #tpu.memory_space<vmem>>
        %dma_start3A_558 = tpu.memref_squeeze %dma_start3A_557 : memref<1x128xi32, #tpu.memory_space<vmem>> -> memref<128xi32, #tpu.memory_space<vmem>>
        %dma_start3A_559 = arith.constant 0 : i32
        %dma_start3A_560 = arith.constant 0 : i32
        %dma_start3A_561 = tpu.memref_slice %arg3[%dma_start3A_559, %dma_start3A_560] : memref<1000012x16xf32, #tpu.memory_space<hbm>> -> memref<1000012x16xf32, #tpu.memory_space<hbm>>
        tpu.enqueue_indirect_dma source(%dma_start3A_561 : memref<1000012x16xf32, #tpu.memory_space<hbm>>) target(%dma_start3A_555 : memref<128x16xf32, #tpu.memory_space<vmem>>) offsets(%dma_start3A_558 : memref<128xi32, #tpu.memory_space<vmem>>) semaphore(%arg10 : memref<!tpu.dma_semaphore, #tpu.memory_space<semaphore_mem>>)
        %mul3A_562 = arith.constant 1024 : i32
        %mul3A_563 = arith.muli %xor3A_415, %mul3A_562 : i32
        %add3A_564 = arith.constant 640 : i32
        %add3A_565 = arith.addi %mul3A_563, %add3A_564 : i32
        %dma_start3A_566 = tpu.memref_slice %arg9[%add3A_565] : memref<2048xf32, #tpu.memory_space<vmem>> -> memref<128xf32, #tpu.memory_space<vmem>>
        %dma_start3A_567 = arith.constant 0 : i32
        %dma_start3A_568 = tpu.memref_slice %arg7[%add3A_549, %dma_start3A_567] : memref<104x128xi32, #tpu.memory_space<vmem>> -> memref<1x128xi32, #tpu.memory_space<vmem>>
        %dma_start3A_569 = tpu.memref_squeeze %dma_start3A_568 : memref<1x128xi32, #tpu.memory_space<vmem>> -> memref<128xi32, #tpu.memory_space<vmem>>
        %dma_start3A_570 = arith.constant 0 : i32
        %dma_start3A_571 = tpu.memref_slice %arg4[%dma_start3A_570] : memref<1000012xf32, #tpu.memory_space<hbm>> -> memref<1000012xf32, #tpu.memory_space<hbm>>
        tpu.enqueue_indirect_dma source(%dma_start3A_571 : memref<1000012xf32, #tpu.memory_space<hbm>>) target(%dma_start3A_566 : memref<128xf32, #tpu.memory_space<vmem>>) offsets(%dma_start3A_569 : memref<128xi32, #tpu.memory_space<vmem>>) semaphore(%arg11 : memref<!tpu.dma_semaphore, #tpu.memory_space<semaphore_mem>>)
        %mul3A_572 = arith.constant 8 : i32
        %mul3A_573 = arith.muli %add3A_414, %mul3A_572 : i32
        %add3A_574 = arith.constant 6 : i32
        %add3A_575 = arith.addi %mul3A_573, %add3A_574 : i32
        %mul3A_576 = arith.constant 1024 : i32
        %mul3A_577 = arith.muli %xor3A_415, %mul3A_576 : i32
        %add3A_578 = arith.constant 768 : i32
        %add3A_579 = arith.addi %mul3A_577, %add3A_578 : i32
        %dma_start3A_580 = arith.constant 0 : i32
        %dma_start3A_581 = tpu.memref_slice %arg8[%add3A_579, %dma_start3A_580] : memref<2048x16xf32, #tpu.memory_space<vmem>> -> memref<128x16xf32, #tpu.memory_space<vmem>>
        %dma_start3A_582 = arith.constant 0 : i32
        %dma_start3A_583 = tpu.memref_slice %arg7[%add3A_575, %dma_start3A_582] : memref<104x128xi32, #tpu.memory_space<vmem>> -> memref<1x128xi32, #tpu.memory_space<vmem>>
        %dma_start3A_584 = tpu.memref_squeeze %dma_start3A_583 : memref<1x128xi32, #tpu.memory_space<vmem>> -> memref<128xi32, #tpu.memory_space<vmem>>
        %dma_start3A_585 = arith.constant 0 : i32
        %dma_start3A_586 = arith.constant 0 : i32
        %dma_start3A_587 = tpu.memref_slice %arg3[%dma_start3A_585, %dma_start3A_586] : memref<1000012x16xf32, #tpu.memory_space<hbm>> -> memref<1000012x16xf32, #tpu.memory_space<hbm>>
        tpu.enqueue_indirect_dma source(%dma_start3A_587 : memref<1000012x16xf32, #tpu.memory_space<hbm>>) target(%dma_start3A_581 : memref<128x16xf32, #tpu.memory_space<vmem>>) offsets(%dma_start3A_584 : memref<128xi32, #tpu.memory_space<vmem>>) semaphore(%arg10 : memref<!tpu.dma_semaphore, #tpu.memory_space<semaphore_mem>>)
        %mul3A_588 = arith.constant 1024 : i32
        %mul3A_589 = arith.muli %xor3A_415, %mul3A_588 : i32
        %add3A_590 = arith.constant 768 : i32
        %add3A_591 = arith.addi %mul3A_589, %add3A_590 : i32
        %dma_start3A_592 = tpu.memref_slice %arg9[%add3A_591] : memref<2048xf32, #tpu.memory_space<vmem>> -> memref<128xf32, #tpu.memory_space<vmem>>
        %dma_start3A_593 = arith.constant 0 : i32
        %dma_start3A_594 = tpu.memref_slice %arg7[%add3A_575, %dma_start3A_593] : memref<104x128xi32, #tpu.memory_space<vmem>> -> memref<1x128xi32, #tpu.memory_space<vmem>>
        %dma_start3A_595 = tpu.memref_squeeze %dma_start3A_594 : memref<1x128xi32, #tpu.memory_space<vmem>> -> memref<128xi32, #tpu.memory_space<vmem>>
        %dma_start3A_596 = arith.constant 0 : i32
        %dma_start3A_597 = tpu.memref_slice %arg4[%dma_start3A_596] : memref<1000012xf32, #tpu.memory_space<hbm>> -> memref<1000012xf32, #tpu.memory_space<hbm>>
        tpu.enqueue_indirect_dma source(%dma_start3A_597 : memref<1000012xf32, #tpu.memory_space<hbm>>) target(%dma_start3A_592 : memref<128xf32, #tpu.memory_space<vmem>>) offsets(%dma_start3A_595 : memref<128xi32, #tpu.memory_space<vmem>>) semaphore(%arg11 : memref<!tpu.dma_semaphore, #tpu.memory_space<semaphore_mem>>)
        %mul3A_598 = arith.constant 8 : i32
        %mul3A_599 = arith.muli %add3A_414, %mul3A_598 : i32
        %add3A_600 = arith.constant 7 : i32
        %add3A_601 = arith.addi %mul3A_599, %add3A_600 : i32
        %mul3A_602 = arith.constant 1024 : i32
        %mul3A_603 = arith.muli %xor3A_415, %mul3A_602 : i32
        %add3A_604 = arith.constant 896 : i32
        %add3A_605 = arith.addi %mul3A_603, %add3A_604 : i32
        %dma_start3A_606 = arith.constant 0 : i32
        %dma_start3A_607 = tpu.memref_slice %arg8[%add3A_605, %dma_start3A_606] : memref<2048x16xf32, #tpu.memory_space<vmem>> -> memref<128x16xf32, #tpu.memory_space<vmem>>
        %dma_start3A_608 = arith.constant 0 : i32
        %dma_start3A_609 = tpu.memref_slice %arg7[%add3A_601, %dma_start3A_608] : memref<104x128xi32, #tpu.memory_space<vmem>> -> memref<1x128xi32, #tpu.memory_space<vmem>>
        %dma_start3A_610 = tpu.memref_squeeze %dma_start3A_609 : memref<1x128xi32, #tpu.memory_space<vmem>> -> memref<128xi32, #tpu.memory_space<vmem>>
        %dma_start3A_611 = arith.constant 0 : i32
        %dma_start3A_612 = arith.constant 0 : i32
        %dma_start3A_613 = tpu.memref_slice %arg3[%dma_start3A_611, %dma_start3A_612] : memref<1000012x16xf32, #tpu.memory_space<hbm>> -> memref<1000012x16xf32, #tpu.memory_space<hbm>>
        tpu.enqueue_indirect_dma source(%dma_start3A_613 : memref<1000012x16xf32, #tpu.memory_space<hbm>>) target(%dma_start3A_607 : memref<128x16xf32, #tpu.memory_space<vmem>>) offsets(%dma_start3A_610 : memref<128xi32, #tpu.memory_space<vmem>>) semaphore(%arg10 : memref<!tpu.dma_semaphore, #tpu.memory_space<semaphore_mem>>)
        %mul3A_614 = arith.constant 1024 : i32
        %mul3A_615 = arith.muli %xor3A_415, %mul3A_614 : i32
        %add3A_616 = arith.constant 896 : i32
        %add3A_617 = arith.addi %mul3A_615, %add3A_616 : i32
        %dma_start3A_618 = tpu.memref_slice %arg9[%add3A_617] : memref<2048xf32, #tpu.memory_space<vmem>> -> memref<128xf32, #tpu.memory_space<vmem>>
        %dma_start3A_619 = arith.constant 0 : i32
        %dma_start3A_620 = tpu.memref_slice %arg7[%add3A_601, %dma_start3A_619] : memref<104x128xi32, #tpu.memory_space<vmem>> -> memref<1x128xi32, #tpu.memory_space<vmem>>
        %dma_start3A_621 = tpu.memref_squeeze %dma_start3A_620 : memref<1x128xi32, #tpu.memory_space<vmem>> -> memref<128xi32, #tpu.memory_space<vmem>>
        %dma_start3A_622 = arith.constant 0 : i32
        %dma_start3A_623 = tpu.memref_slice %arg4[%dma_start3A_622] : memref<1000012xf32, #tpu.memory_space<hbm>> -> memref<1000012xf32, #tpu.memory_space<hbm>>
        tpu.enqueue_indirect_dma source(%dma_start3A_623 : memref<1000012xf32, #tpu.memory_space<hbm>>) target(%dma_start3A_618 : memref<128xf32, #tpu.memory_space<vmem>>) offsets(%dma_start3A_621 : memref<128xi32, #tpu.memory_space<vmem>>) semaphore(%arg11 : memref<!tpu.dma_semaphore, #tpu.memory_space<semaphore_mem>>)
      } else {
      }
      %ge3A = arith.constant 2 : i32
      %ge3A_388 = arith.cmpi sge, %scan3A_190, %ge3A : i32
      %convert_element_type3A_389 = arith.extui %ge3A_388 : i1 to i32
      %cond3A_390 = arith.constant 0 : i32
      %cond3A_391 = arith.cmpi ne, %convert_element_type3A_389, %cond3A_390 : i32
      scf.if %cond3A_391 {
        %dma_wait3A_413 = arith.constant 0 : i32
        %dma_wait3A_414 = arith.constant 0 : i32
        %dma_wait3A_415 = tpu.memref_slice %arg8[%dma_wait3A_413, %dma_wait3A_414] : memref<2048x16xf32, #tpu.memory_space<vmem>> -> memref<1024x16xf32, #tpu.memory_space<vmem>>
        %dma_wait3A_416 = arith.constant 0 : i32
        %dma_wait3A_417 = arith.constant 0 : i32
        %dma_wait3A_418 = tpu.memref_slice %arg5[%dma_wait3A_416, %dma_wait3A_417] : memref<425984x16xf32, #tpu.memory_space<hbm>> -> memref<1024x16xf32, #tpu.memory_space<hbm>>
        %dma_wait3A_419 = arith.constant 0 : i32
        %dma_wait3A_420 = arith.constant 0 : i32
        %dma_wait3A_421 = tpu.memref_slice %arg5[%dma_wait3A_419, %dma_wait3A_420] : memref<425984x16xf32, #tpu.memory_space<hbm>> -> memref<1024x16xf32, #tpu.memory_space<hbm>>
        %dma_wait3A_422 = arith.constant 0 : i32
        %dma_wait3A_423 = arith.constant 0 : i32
        %dma_wait3A_424 = tpu.memref_slice %arg8[%dma_wait3A_422, %dma_wait3A_423] : memref<2048x16xf32, #tpu.memory_space<vmem>> -> memref<1024x16xf32, #tpu.memory_space<vmem>>
        tpu.wait_dma2 semaphore(%arg12 : memref<!tpu.dma_semaphore, #tpu.memory_space<semaphore_mem>>) src(%dma_wait3A_424 : memref<1024x16xf32, #tpu.memory_space<vmem>>) dst(%dma_wait3A_421 : memref<1024x16xf32, #tpu.memory_space<hbm>>)
        %dma_wait3A_425 = arith.constant 0 : i32
        %dma_wait3A_426 = tpu.memref_slice %arg9[%dma_wait3A_425] : memref<2048xf32, #tpu.memory_space<vmem>> -> memref<1024xf32, #tpu.memory_space<vmem>>
        %dma_wait3A_427 = arith.constant 0 : i32
        %dma_wait3A_428 = tpu.memref_slice %arg6[%dma_wait3A_427] : memref<425984xf32, #tpu.memory_space<hbm>> -> memref<1024xf32, #tpu.memory_space<hbm>>
        %dma_wait3A_429 = arith.constant 0 : i32
        %dma_wait3A_430 = tpu.memref_slice %arg6[%dma_wait3A_429] : memref<425984xf32, #tpu.memory_space<hbm>> -> memref<1024xf32, #tpu.memory_space<hbm>>
        %dma_wait3A_431 = arith.constant 0 : i32
        %dma_wait3A_432 = tpu.memref_slice %arg9[%dma_wait3A_431] : memref<2048xf32, #tpu.memory_space<vmem>> -> memref<1024xf32, #tpu.memory_space<vmem>>
        tpu.wait_dma2 semaphore(%arg12 : memref<!tpu.dma_semaphore, #tpu.memory_space<semaphore_mem>>) src(%dma_wait3A_432 : memref<1024xf32, #tpu.memory_space<vmem>>) dst(%dma_wait3A_430 : memref<1024xf32, #tpu.memory_space<hbm>>)
      } else {
      }
      %mul3A_392 = arith.constant 8 : i32
      %mul3A_393 = arith.muli %scan3A_190, %mul3A_392 : i32
      %add3A_394 = arith.addi %mul3A_2, %mul3A_393 : i32
      %mul3A_395 = arith.constant 128 : i32
      %mul3A_396 = arith.muli %add3A_394, %mul3A_395 : i32
      %mul3A_397 = arith.constant 1024 : i32
      %mul3A_398 = arith.muli %and3A_191, %mul3A_397 : i32
      %dma_start3A_399 = arith.constant 0 : i32
      %dma_start3A_400 = tpu.memref_slice %arg8[%mul3A_398, %dma_start3A_399] : memref<2048x16xf32, #tpu.memory_space<vmem>> -> memref<1024x16xf32, #tpu.memory_space<vmem>>
      %dma_start3A_401 = arith.constant 0 : i32
      %dma_start3A_402 = tpu.memref_slice %arg5[%mul3A_396, %dma_start3A_401] : memref<425984x16xf32, #tpu.memory_space<hbm>> -> memref<1024x16xf32, #tpu.memory_space<hbm>>
      %dma_start3A_403 = arith.constant 0 : i32
      %dma_start3A_404 = tpu.memref_slice %arg5[%mul3A_396, %dma_start3A_403] : memref<425984x16xf32, #tpu.memory_space<hbm>> -> memref<1024x16xf32, #tpu.memory_space<hbm>>
      %dma_start3A_405 = arith.constant 0 : i32
      %dma_start3A_406 = tpu.memref_slice %arg8[%mul3A_398, %dma_start3A_405] : memref<2048x16xf32, #tpu.memory_space<vmem>> -> memref<1024x16xf32, #tpu.memory_space<vmem>>
      tpu.enqueue_dma source(%dma_start3A_406 : memref<1024x16xf32, #tpu.memory_space<vmem>>) target(%dma_start3A_404 : memref<1024x16xf32, #tpu.memory_space<hbm>>) target_semaphore(%arg12 : memref<!tpu.dma_semaphore, #tpu.memory_space<semaphore_mem>>)
      %mul3A_407 = arith.constant 1024 : i32
      %mul3A_408 = arith.muli %and3A_191, %mul3A_407 : i32
      %dma_start3A_409 = tpu.memref_slice %arg9[%mul3A_408] : memref<2048xf32, #tpu.memory_space<vmem>> -> memref<1024xf32, #tpu.memory_space<vmem>>
      %dma_start3A_410 = tpu.memref_slice %arg6[%mul3A_396] : memref<425984xf32, #tpu.memory_space<hbm>> -> memref<1024xf32, #tpu.memory_space<hbm>>
      %dma_start3A_411 = tpu.memref_slice %arg6[%mul3A_396] : memref<425984xf32, #tpu.memory_space<hbm>> -> memref<1024xf32, #tpu.memory_space<hbm>>
      %dma_start3A_412 = tpu.memref_slice %arg9[%mul3A_408] : memref<2048xf32, #tpu.memory_space<vmem>> -> memref<1024xf32, #tpu.memory_space<vmem>>
      tpu.enqueue_dma source(%dma_start3A_412 : memref<1024xf32, #tpu.memory_space<vmem>>) target(%dma_start3A_411 : memref<1024xf32, #tpu.memory_space<hbm>>) target_semaphore(%arg12 : memref<!tpu.dma_semaphore, #tpu.memory_space<semaphore_mem>>)
    }
    %scan3A_150 = arith.constant 13 : i32
    %dma_wait3A = arith.constant 0 : i32
    %dma_wait3A_151 = arith.constant 0 : i32
    %dma_wait3A_152 = tpu.memref_slice %arg8[%dma_wait3A, %dma_wait3A_151] : memref<2048x16xf32, #tpu.memory_space<vmem>> -> memref<1024x16xf32, #tpu.memory_space<vmem>>
    %dma_wait3A_153 = arith.constant 0 : i32
    %dma_wait3A_154 = arith.constant 0 : i32
    %dma_wait3A_155 = tpu.memref_slice %arg5[%dma_wait3A_153, %dma_wait3A_154] : memref<425984x16xf32, #tpu.memory_space<hbm>> -> memref<1024x16xf32, #tpu.memory_space<hbm>>
    %dma_wait3A_156 = arith.constant 0 : i32
    %dma_wait3A_157 = arith.constant 0 : i32
    %dma_wait3A_158 = tpu.memref_slice %arg5[%dma_wait3A_156, %dma_wait3A_157] : memref<425984x16xf32, #tpu.memory_space<hbm>> -> memref<1024x16xf32, #tpu.memory_space<hbm>>
    %dma_wait3A_159 = arith.constant 0 : i32
    %dma_wait3A_160 = arith.constant 0 : i32
    %dma_wait3A_161 = tpu.memref_slice %arg8[%dma_wait3A_159, %dma_wait3A_160] : memref<2048x16xf32, #tpu.memory_space<vmem>> -> memref<1024x16xf32, #tpu.memory_space<vmem>>
    tpu.wait_dma2 semaphore(%arg12 : memref<!tpu.dma_semaphore, #tpu.memory_space<semaphore_mem>>) src(%dma_wait3A_161 : memref<1024x16xf32, #tpu.memory_space<vmem>>) dst(%dma_wait3A_158 : memref<1024x16xf32, #tpu.memory_space<hbm>>)
    %dma_wait3A_162 = arith.constant 0 : i32
    %dma_wait3A_163 = tpu.memref_slice %arg9[%dma_wait3A_162] : memref<2048xf32, #tpu.memory_space<vmem>> -> memref<1024xf32, #tpu.memory_space<vmem>>
    %dma_wait3A_164 = arith.constant 0 : i32
    %dma_wait3A_165 = tpu.memref_slice %arg6[%dma_wait3A_164] : memref<425984xf32, #tpu.memory_space<hbm>> -> memref<1024xf32, #tpu.memory_space<hbm>>
    %dma_wait3A_166 = arith.constant 0 : i32
    %dma_wait3A_167 = tpu.memref_slice %arg6[%dma_wait3A_166] : memref<425984xf32, #tpu.memory_space<hbm>> -> memref<1024xf32, #tpu.memory_space<hbm>>
    %dma_wait3A_168 = arith.constant 0 : i32
    %dma_wait3A_169 = tpu.memref_slice %arg9[%dma_wait3A_168] : memref<2048xf32, #tpu.memory_space<vmem>> -> memref<1024xf32, #tpu.memory_space<vmem>>
    tpu.wait_dma2 semaphore(%arg12 : memref<!tpu.dma_semaphore, #tpu.memory_space<semaphore_mem>>) src(%dma_wait3A_169 : memref<1024xf32, #tpu.memory_space<vmem>>) dst(%dma_wait3A_167 : memref<1024xf32, #tpu.memory_space<hbm>>)
    %dma_wait3A_170 = arith.constant 0 : i32
    %dma_wait3A_171 = arith.constant 0 : i32
    %dma_wait3A_172 = tpu.memref_slice %arg8[%dma_wait3A_170, %dma_wait3A_171] : memref<2048x16xf32, #tpu.memory_space<vmem>> -> memref<1024x16xf32, #tpu.memory_space<vmem>>
    %dma_wait3A_173 = arith.constant 0 : i32
    %dma_wait3A_174 = arith.constant 0 : i32
    %dma_wait3A_175 = tpu.memref_slice %arg5[%dma_wait3A_173, %dma_wait3A_174] : memref<425984x16xf32, #tpu.memory_space<hbm>> -> memref<1024x16xf32, #tpu.memory_space<hbm>>
    %dma_wait3A_176 = arith.constant 0 : i32
    %dma_wait3A_177 = arith.constant 0 : i32
    %dma_wait3A_178 = tpu.memref_slice %arg5[%dma_wait3A_176, %dma_wait3A_177] : memref<425984x16xf32, #tpu.memory_space<hbm>> -> memref<1024x16xf32, #tpu.memory_space<hbm>>
    %dma_wait3A_179 = arith.constant 0 : i32
    %dma_wait3A_180 = arith.constant 0 : i32
    %dma_wait3A_181 = tpu.memref_slice %arg8[%dma_wait3A_179, %dma_wait3A_180] : memref<2048x16xf32, #tpu.memory_space<vmem>> -> memref<1024x16xf32, #tpu.memory_space<vmem>>
    tpu.wait_dma2 semaphore(%arg12 : memref<!tpu.dma_semaphore, #tpu.memory_space<semaphore_mem>>) src(%dma_wait3A_181 : memref<1024x16xf32, #tpu.memory_space<vmem>>) dst(%dma_wait3A_178 : memref<1024x16xf32, #tpu.memory_space<hbm>>)
    %dma_wait3A_182 = arith.constant 0 : i32
    %dma_wait3A_183 = tpu.memref_slice %arg9[%dma_wait3A_182] : memref<2048xf32, #tpu.memory_space<vmem>> -> memref<1024xf32, #tpu.memory_space<vmem>>
    %dma_wait3A_184 = arith.constant 0 : i32
    %dma_wait3A_185 = tpu.memref_slice %arg6[%dma_wait3A_184] : memref<425984xf32, #tpu.memory_space<hbm>> -> memref<1024xf32, #tpu.memory_space<hbm>>
    %dma_wait3A_186 = arith.constant 0 : i32
    %dma_wait3A_187 = tpu.memref_slice %arg6[%dma_wait3A_186] : memref<425984xf32, #tpu.memory_space<hbm>> -> memref<1024xf32, #tpu.memory_space<hbm>>
    %dma_wait3A_188 = arith.constant 0 : i32
    %dma_wait3A_189 = tpu.memref_slice %arg9[%dma_wait3A_188] : memref<2048xf32, #tpu.memory_space<vmem>> -> memref<1024xf32, #tpu.memory_space<vmem>>
    tpu.wait_dma2 semaphore(%arg12 : memref<!tpu.dma_semaphore, #tpu.memory_space<semaphore_mem>>) src(%dma_wait3A_189 : memref<1024xf32, #tpu.memory_space<vmem>>) dst(%dma_wait3A_187 : memref<1024xf32, #tpu.memory_space<hbm>>)
    return
  }
}

#map = affine_map<(d0, d1) -> (0, 0)>
#map1 = affine_map<(d0, d1) -> (0)>
module attributes {stable_mosaic.version = 14 : i64} {
  func.func @transpose_k(%arg0: i32, %arg1: i32, %arg2: memref<16x1000012xf32, #tpu.memory_space<hbm>>, %arg3: memref<1216xf32, #tpu.memory_space<hbm>>, %arg4: memref<16000192xf32, #tpu.memory_space<hbm>>, %arg5: memref<64x137xf32, #tpu.memory_space<vmem>>, %arg6: memref<8192xf32, #tpu.memory_space<vmem>>, %arg7: memref<!tpu.dma_semaphore, #tpu.memory_space<semaphore_mem>>, %arg8: memref<!tpu.dma_semaphore, #tpu.memory_space<semaphore_mem>>) attributes {dimension_semantics = [#tpu.dimension_semantics<core_parallel>, #tpu.dimension_semantics<subcore_parallel>], iteration_bounds = array<i64: 2, 16>, scalar_prefetch = 0 : i64, scratch_operands = 4 : i64, tpu.core_type = #tpu.core_type<sc_vector_subcore>, window_params = [{transform_indices = #map}, {transform_indices = #map1}, {transform_indices = #map1}]} {
    %mul3A = arith.constant 2 : i32
    %mul3A_0 = arith.muli %arg1, %mul3A : i32
    %add3A = arith.addi %mul3A_0, %arg0 : i32
    %lt3A = arith.constant 4 : i32
    %lt3A_1 = arith.cmpi slt, %add3A, %lt3A : i32
    %convert_element_type3A = arith.extui %lt3A_1 : i1 to i32
    %add3A_2 = arith.constant 244 : i32
    %add3A_3 = arith.addi %add3A_2, %convert_element_type3A : i32
    %mul3A_4 = arith.constant 244 : i32
    %mul3A_5 = arith.muli %add3A, %mul3A_4 : i32
    %min3A = arith.constant 4 : i32
    %min3A_6 = arith.minsi %add3A, %min3A : i32
    %add3A_7 = arith.addi %mul3A_5, %min3A_6 : i32
    %iota3A = tpu.iota {dimensions = array<i32: 0>} : vector<16xi32>
    %add3A_8 = arith.constant 0 : i32
    %add3A_9 = arith.addi %add3A_7, %add3A_8 : i32
    %mul3A_10 = arith.constant 128 : i32
    %mul3A_11 = arith.muli %add3A_9, %mul3A_10 : i32
    %multiple_of3A = tpu.assume_multiple %mul3A_11, 128 : i32
    %dma_start3A = arith.constant 0 : i32
    %dma_start3A_12 = arith.constant 0 : i32
    %dma_start3A_13 = tpu.memref_slice %arg5[%dma_start3A, %dma_start3A_12] : memref<64x137xf32, #tpu.memory_space<vmem>> -> memref<8x128xf32, #tpu.memory_space<vmem>>
    %dma_start3A_14 = arith.constant 0 : i32
    %dma_start3A_15 = tpu.memref_slice %arg2[%dma_start3A_14, %multiple_of3A] : memref<16x1000012xf32, #tpu.memory_space<hbm>> -> memref<8x128xf32, #tpu.memory_space<hbm>>
    %dma_start3A_16 = arith.constant 0 : i32
    %dma_start3A_17 = arith.constant 0 : i32
    %dma_start3A_18 = tpu.memref_slice %arg5[%dma_start3A_16, %dma_start3A_17] : memref<64x137xf32, #tpu.memory_space<vmem>> -> memref<8x128xf32, #tpu.memory_space<vmem>>
    %dma_start3A_19 = arith.constant 0 : i32
    %dma_start3A_20 = tpu.memref_slice %arg2[%dma_start3A_19, %multiple_of3A] : memref<16x1000012xf32, #tpu.memory_space<hbm>> -> memref<8x128xf32, #tpu.memory_space<hbm>>
    tpu.enqueue_dma source(%dma_start3A_20 : memref<8x128xf32, #tpu.memory_space<hbm>>) target(%dma_start3A_18 : memref<8x128xf32, #tpu.memory_space<vmem>>) target_semaphore(%arg7 : memref<!tpu.dma_semaphore, #tpu.memory_space<semaphore_mem>>)
    %dma_start3A_21 = arith.constant 8 : i32
    %dma_start3A_22 = arith.constant 0 : i32
    %dma_start3A_23 = tpu.memref_slice %arg5[%dma_start3A_21, %dma_start3A_22] : memref<64x137xf32, #tpu.memory_space<vmem>> -> memref<8x128xf32, #tpu.memory_space<vmem>>
    %dma_start3A_24 = arith.constant 8 : i32
    %dma_start3A_25 = tpu.memref_slice %arg2[%dma_start3A_24, %multiple_of3A] : memref<16x1000012xf32, #tpu.memory_space<hbm>> -> memref<8x128xf32, #tpu.memory_space<hbm>>
    %dma_start3A_26 = arith.constant 8 : i32
    %dma_start3A_27 = arith.constant 0 : i32
    %dma_start3A_28 = tpu.memref_slice %arg5[%dma_start3A_26, %dma_start3A_27] : memref<64x137xf32, #tpu.memory_space<vmem>> -> memref<8x128xf32, #tpu.memory_space<vmem>>
    %dma_start3A_29 = arith.constant 8 : i32
    %dma_start3A_30 = tpu.memref_slice %arg2[%dma_start3A_29, %multiple_of3A] : memref<16x1000012xf32, #tpu.memory_space<hbm>> -> memref<8x128xf32, #tpu.memory_space<hbm>>
    tpu.enqueue_dma source(%dma_start3A_30 : memref<8x128xf32, #tpu.memory_space<hbm>>) target(%dma_start3A_28 : memref<8x128xf32, #tpu.memory_space<vmem>>) target_semaphore(%arg7 : memref<!tpu.dma_semaphore, #tpu.memory_space<semaphore_mem>>)
    %add3A_31 = arith.constant 1 : i32
    %add3A_32 = arith.addi %add3A_7, %add3A_31 : i32
    %mul3A_33 = arith.constant 128 : i32
    %mul3A_34 = arith.muli %add3A_32, %mul3A_33 : i32
    %multiple_of3A_35 = tpu.assume_multiple %mul3A_34, 128 : i32
    %dma_start3A_36 = arith.constant 16 : i32
    %dma_start3A_37 = arith.constant 0 : i32
    %dma_start3A_38 = tpu.memref_slice %arg5[%dma_start3A_36, %dma_start3A_37] : memref<64x137xf32, #tpu.memory_space<vmem>> -> memref<8x128xf32, #tpu.memory_space<vmem>>
    %dma_start3A_39 = arith.constant 0 : i32
    %dma_start3A_40 = tpu.memref_slice %arg2[%dma_start3A_39, %multiple_of3A_35] : memref<16x1000012xf32, #tpu.memory_space<hbm>> -> memref<8x128xf32, #tpu.memory_space<hbm>>
    %dma_start3A_41 = arith.constant 16 : i32
    %dma_start3A_42 = arith.constant 0 : i32
    %dma_start3A_43 = tpu.memref_slice %arg5[%dma_start3A_41, %dma_start3A_42] : memref<64x137xf32, #tpu.memory_space<vmem>> -> memref<8x128xf32, #tpu.memory_space<vmem>>
    %dma_start3A_44 = arith.constant 0 : i32
    %dma_start3A_45 = tpu.memref_slice %arg2[%dma_start3A_44, %multiple_of3A_35] : memref<16x1000012xf32, #tpu.memory_space<hbm>> -> memref<8x128xf32, #tpu.memory_space<hbm>>
    tpu.enqueue_dma source(%dma_start3A_45 : memref<8x128xf32, #tpu.memory_space<hbm>>) target(%dma_start3A_43 : memref<8x128xf32, #tpu.memory_space<vmem>>) target_semaphore(%arg7 : memref<!tpu.dma_semaphore, #tpu.memory_space<semaphore_mem>>)
    %dma_start3A_46 = arith.constant 24 : i32
    %dma_start3A_47 = arith.constant 0 : i32
    %dma_start3A_48 = tpu.memref_slice %arg5[%dma_start3A_46, %dma_start3A_47] : memref<64x137xf32, #tpu.memory_space<vmem>> -> memref<8x128xf32, #tpu.memory_space<vmem>>
    %dma_start3A_49 = arith.constant 8 : i32
    %dma_start3A_50 = tpu.memref_slice %arg2[%dma_start3A_49, %multiple_of3A_35] : memref<16x1000012xf32, #tpu.memory_space<hbm>> -> memref<8x128xf32, #tpu.memory_space<hbm>>
    %dma_start3A_51 = arith.constant 24 : i32
    %dma_start3A_52 = arith.constant 0 : i32
    %dma_start3A_53 = tpu.memref_slice %arg5[%dma_start3A_51, %dma_start3A_52] : memref<64x137xf32, #tpu.memory_space<vmem>> -> memref<8x128xf32, #tpu.memory_space<vmem>>
    %dma_start3A_54 = arith.constant 8 : i32
    %dma_start3A_55 = tpu.memref_slice %arg2[%dma_start3A_54, %multiple_of3A_35] : memref<16x1000012xf32, #tpu.memory_space<hbm>> -> memref<8x128xf32, #tpu.memory_space<hbm>>
    tpu.enqueue_dma source(%dma_start3A_55 : memref<8x128xf32, #tpu.memory_space<hbm>>) target(%dma_start3A_53 : memref<8x128xf32, #tpu.memory_space<vmem>>) target_semaphore(%arg7 : memref<!tpu.dma_semaphore, #tpu.memory_space<semaphore_mem>>)
    %add3A_56 = arith.constant 2 : i32
    %add3A_57 = arith.addi %add3A_7, %add3A_56 : i32
    %mul3A_58 = arith.constant 128 : i32
    %mul3A_59 = arith.muli %add3A_57, %mul3A_58 : i32
    %multiple_of3A_60 = tpu.assume_multiple %mul3A_59, 128 : i32
    %dma_start3A_61 = arith.constant 32 : i32
    %dma_start3A_62 = arith.constant 0 : i32
    %dma_start3A_63 = tpu.memref_slice %arg5[%dma_start3A_61, %dma_start3A_62] : memref<64x137xf32, #tpu.memory_space<vmem>> -> memref<8x128xf32, #tpu.memory_space<vmem>>
    %dma_start3A_64 = arith.constant 0 : i32
    %dma_start3A_65 = tpu.memref_slice %arg2[%dma_start3A_64, %multiple_of3A_60] : memref<16x1000012xf32, #tpu.memory_space<hbm>> -> memref<8x128xf32, #tpu.memory_space<hbm>>
    %dma_start3A_66 = arith.constant 32 : i32
    %dma_start3A_67 = arith.constant 0 : i32
    %dma_start3A_68 = tpu.memref_slice %arg5[%dma_start3A_66, %dma_start3A_67] : memref<64x137xf32, #tpu.memory_space<vmem>> -> memref<8x128xf32, #tpu.memory_space<vmem>>
    %dma_start3A_69 = arith.constant 0 : i32
    %dma_start3A_70 = tpu.memref_slice %arg2[%dma_start3A_69, %multiple_of3A_60] : memref<16x1000012xf32, #tpu.memory_space<hbm>> -> memref<8x128xf32, #tpu.memory_space<hbm>>
    tpu.enqueue_dma source(%dma_start3A_70 : memref<8x128xf32, #tpu.memory_space<hbm>>) target(%dma_start3A_68 : memref<8x128xf32, #tpu.memory_space<vmem>>) target_semaphore(%arg7 : memref<!tpu.dma_semaphore, #tpu.memory_space<semaphore_mem>>)
    %dma_start3A_71 = arith.constant 40 : i32
    %dma_start3A_72 = arith.constant 0 : i32
    %dma_start3A_73 = tpu.memref_slice %arg5[%dma_start3A_71, %dma_start3A_72] : memref<64x137xf32, #tpu.memory_space<vmem>> -> memref<8x128xf32, #tpu.memory_space<vmem>>
    %dma_start3A_74 = arith.constant 8 : i32
    %dma_start3A_75 = tpu.memref_slice %arg2[%dma_start3A_74, %multiple_of3A_60] : memref<16x1000012xf32, #tpu.memory_space<hbm>> -> memref<8x128xf32, #tpu.memory_space<hbm>>
    %dma_start3A_76 = arith.constant 40 : i32
    %dma_start3A_77 = arith.constant 0 : i32
    %dma_start3A_78 = tpu.memref_slice %arg5[%dma_start3A_76, %dma_start3A_77] : memref<64x137xf32, #tpu.memory_space<vmem>> -> memref<8x128xf32, #tpu.memory_space<vmem>>
    %dma_start3A_79 = arith.constant 8 : i32
    %dma_start3A_80 = tpu.memref_slice %arg2[%dma_start3A_79, %multiple_of3A_60] : memref<16x1000012xf32, #tpu.memory_space<hbm>> -> memref<8x128xf32, #tpu.memory_space<hbm>>
    tpu.enqueue_dma source(%dma_start3A_80 : memref<8x128xf32, #tpu.memory_space<hbm>>) target(%dma_start3A_78 : memref<8x128xf32, #tpu.memory_space<vmem>>) target_semaphore(%arg7 : memref<!tpu.dma_semaphore, #tpu.memory_space<semaphore_mem>>)
    %while3A = arith.constant 0 : i32
    %while3A_81 = arith.constant 0 : i32
    %while3A_82 = arith.subi %add3A_3, %while3A_81 : i32
    %while3A_83 = arith.addi %while3A_81, %while3A_82 : i32
    %while3A_84 = arith.constant 1 : i32
    %while3A_85 = arith.divsi %while3A_82, %while3A_84 : i32
    %while3A_86 = arith.muli %while3A_85, %while3A_84 : i32
    %while3A_87 = arith.addi %while3A_81, %while3A_86 : i32
    %while3A_88 = arith.constant 1 : i32
    scf.for %while3A_124 = %while3A_81 to %while3A_87 step %while3A_88  : i32 {
      %and3A = arith.constant 3 : i32
      %and3A_125 = arith.andi %while3A_124, %and3A : i32
      %mul3A_126 = arith.constant 16 : i32
      %mul3A_127 = arith.muli %and3A_125, %mul3A_126 : i32
      %add3A_128 = arith.constant 0 : i32
      %add3A_129 = arith.addi %mul3A_127, %add3A_128 : i32
      %dma_wait3A_130 = arith.constant 0 : i32
      %dma_wait3A_131 = tpu.memref_slice %arg5[%add3A_129, %dma_wait3A_130] : memref<64x137xf32, #tpu.memory_space<vmem>> -> memref<8x128xf32, #tpu.memory_space<vmem>>
      %dma_wait3A_132 = arith.constant 0 : i32
      %dma_wait3A_133 = arith.constant 0 : i32
      %dma_wait3A_134 = tpu.memref_slice %arg2[%dma_wait3A_132, %dma_wait3A_133] : memref<16x1000012xf32, #tpu.memory_space<hbm>> -> memref<8x128xf32, #tpu.memory_space<hbm>>
      %dma_wait3A_135 = arith.constant 0 : i32
      %dma_wait3A_136 = tpu.memref_slice %arg5[%add3A_129, %dma_wait3A_135] : memref<64x137xf32, #tpu.memory_space<vmem>> -> memref<8x128xf32, #tpu.memory_space<vmem>>
      %dma_wait3A_137 = arith.constant 0 : i32
      %dma_wait3A_138 = arith.constant 0 : i32
      %dma_wait3A_139 = tpu.memref_slice %arg2[%dma_wait3A_137, %dma_wait3A_138] : memref<16x1000012xf32, #tpu.memory_space<hbm>> -> memref<8x128xf32, #tpu.memory_space<hbm>>
      tpu.wait_dma2 semaphore(%arg7 : memref<!tpu.dma_semaphore, #tpu.memory_space<semaphore_mem>>) src(%dma_wait3A_139 : memref<8x128xf32, #tpu.memory_space<hbm>>) dst(%dma_wait3A_136 : memref<8x128xf32, #tpu.memory_space<vmem>>)
      %mul3A_140 = arith.constant 16 : i32
      %mul3A_141 = arith.muli %and3A_125, %mul3A_140 : i32
      %add3A_142 = arith.constant 8 : i32
      %add3A_143 = arith.addi %mul3A_141, %add3A_142 : i32
      %dma_wait3A_144 = arith.constant 0 : i32
      %dma_wait3A_145 = tpu.memref_slice %arg5[%add3A_143, %dma_wait3A_144] : memref<64x137xf32, #tpu.memory_space<vmem>> -> memref<8x128xf32, #tpu.memory_space<vmem>>
      %dma_wait3A_146 = arith.constant 0 : i32
      %dma_wait3A_147 = arith.constant 0 : i32
      %dma_wait3A_148 = tpu.memref_slice %arg2[%dma_wait3A_146, %dma_wait3A_147] : memref<16x1000012xf32, #tpu.memory_space<hbm>> -> memref<8x128xf32, #tpu.memory_space<hbm>>
      %dma_wait3A_149 = arith.constant 0 : i32
      %dma_wait3A_150 = tpu.memref_slice %arg5[%add3A_143, %dma_wait3A_149] : memref<64x137xf32, #tpu.memory_space<vmem>> -> memref<8x128xf32, #tpu.memory_space<vmem>>
      %dma_wait3A_151 = arith.constant 0 : i32
      %dma_wait3A_152 = arith.constant 0 : i32
      %dma_wait3A_153 = tpu.memref_slice %arg2[%dma_wait3A_151, %dma_wait3A_152] : memref<16x1000012xf32, #tpu.memory_space<hbm>> -> memref<8x128xf32, #tpu.memory_space<hbm>>
      tpu.wait_dma2 semaphore(%arg7 : memref<!tpu.dma_semaphore, #tpu.memory_space<semaphore_mem>>) src(%dma_wait3A_153 : memref<8x128xf32, #tpu.memory_space<hbm>>) dst(%dma_wait3A_150 : memref<8x128xf32, #tpu.memory_space<vmem>>)
      %add3A_154 = arith.constant 3 : i32
      %add3A_155 = arith.addi %while3A_124, %add3A_154 : i32
      %lt3A_156 = arith.cmpi slt, %add3A_155, %add3A_3 : i32
      %convert_element_type3A_157 = arith.extui %lt3A_156 : i1 to i32
      %cond3A_158 = arith.constant 0 : i32
      %cond3A_159 = arith.cmpi ne, %convert_element_type3A_157, %cond3A_158 : i32
      scf.if %cond3A_159 {
        %add3A_183 = arith.constant 3 : i32
        %add3A_184 = arith.addi %while3A_124, %add3A_183 : i32
        %add3A_185 = arith.constant 3 : i32
        %add3A_186 = arith.addi %while3A_124, %add3A_185 : i32
        %and3A_187 = arith.constant 3 : i32
        %and3A_188 = arith.andi %add3A_186, %and3A_187 : i32
        %add3A_189 = arith.addi %add3A_7, %add3A_184 : i32
        %mul3A_190 = arith.constant 128 : i32
        %mul3A_191 = arith.muli %add3A_189, %mul3A_190 : i32
        %multiple_of3A_192 = tpu.assume_multiple %mul3A_191, 128 : i32
        %mul3A_193 = arith.constant 16 : i32
        %mul3A_194 = arith.muli %and3A_188, %mul3A_193 : i32
        %dma_start3A_195 = arith.constant 0 : i32
        %dma_start3A_196 = tpu.memref_slice %arg5[%mul3A_194, %dma_start3A_195] : memref<64x137xf32, #tpu.memory_space<vmem>> -> memref<8x128xf32, #tpu.memory_space<vmem>>
        %dma_start3A_197 = arith.constant 0 : i32
        %dma_start3A_198 = tpu.memref_slice %arg2[%dma_start3A_197, %multiple_of3A_192] : memref<16x1000012xf32, #tpu.memory_space<hbm>> -> memref<8x128xf32, #tpu.memory_space<hbm>>
        %dma_start3A_199 = arith.constant 0 : i32
        %dma_start3A_200 = tpu.memref_slice %arg5[%mul3A_194, %dma_start3A_199] : memref<64x137xf32, #tpu.memory_space<vmem>> -> memref<8x128xf32, #tpu.memory_space<vmem>>
        %dma_start3A_201 = arith.constant 0 : i32
        %dma_start3A_202 = tpu.memref_slice %arg2[%dma_start3A_201, %multiple_of3A_192] : memref<16x1000012xf32, #tpu.memory_space<hbm>> -> memref<8x128xf32, #tpu.memory_space<hbm>>
        tpu.enqueue_dma source(%dma_start3A_202 : memref<8x128xf32, #tpu.memory_space<hbm>>) target(%dma_start3A_200 : memref<8x128xf32, #tpu.memory_space<vmem>>) target_semaphore(%arg7 : memref<!tpu.dma_semaphore, #tpu.memory_space<semaphore_mem>>)
        %mul3A_203 = arith.constant 16 : i32
        %mul3A_204 = arith.muli %and3A_188, %mul3A_203 : i32
        %add3A_205 = arith.constant 8 : i32
        %add3A_206 = arith.addi %mul3A_204, %add3A_205 : i32
        %dma_start3A_207 = arith.constant 0 : i32
        %dma_start3A_208 = tpu.memref_slice %arg5[%add3A_206, %dma_start3A_207] : memref<64x137xf32, #tpu.memory_space<vmem>> -> memref<8x128xf32, #tpu.memory_space<vmem>>
        %dma_start3A_209 = arith.constant 8 : i32
        %dma_start3A_210 = tpu.memref_slice %arg2[%dma_start3A_209, %multiple_of3A_192] : memref<16x1000012xf32, #tpu.memory_space<hbm>> -> memref<8x128xf32, #tpu.memory_space<hbm>>
        %dma_start3A_211 = arith.constant 0 : i32
        %dma_start3A_212 = tpu.memref_slice %arg5[%add3A_206, %dma_start3A_211] : memref<64x137xf32, #tpu.memory_space<vmem>> -> memref<8x128xf32, #tpu.memory_space<vmem>>
        %dma_start3A_213 = arith.constant 8 : i32
        %dma_start3A_214 = tpu.memref_slice %arg2[%dma_start3A_213, %multiple_of3A_192] : memref<16x1000012xf32, #tpu.memory_space<hbm>> -> memref<8x128xf32, #tpu.memory_space<hbm>>
        tpu.enqueue_dma source(%dma_start3A_214 : memref<8x128xf32, #tpu.memory_space<hbm>>) target(%dma_start3A_212 : memref<8x128xf32, #tpu.memory_space<vmem>>) target_semaphore(%arg7 : memref<!tpu.dma_semaphore, #tpu.memory_space<semaphore_mem>>)
      } else {
      }
      %ge3A = arith.constant 4 : i32
      %ge3A_160 = arith.cmpi sge, %while3A_124, %ge3A : i32
      %convert_element_type3A_161 = arith.extui %ge3A_160 : i1 to i32
      %cond3A_162 = arith.constant 0 : i32
      %cond3A_163 = arith.cmpi ne, %convert_element_type3A_161, %cond3A_162 : i32
      scf.if %cond3A_163 {
        %dma_wait3A_183 = arith.constant 0 : i32
        %dma_wait3A_184 = tpu.memref_slice %arg6[%dma_wait3A_183] : memref<8192xf32, #tpu.memory_space<vmem>> -> memref<2048xf32, #tpu.memory_space<vmem>>
        %dma_wait3A_185 = arith.constant 0 : i32
        %dma_wait3A_186 = tpu.memref_slice %arg4[%dma_wait3A_185] : memref<16000192xf32, #tpu.memory_space<hbm>> -> memref<2048xf32, #tpu.memory_space<hbm>>
        %dma_wait3A_187 = arith.constant 0 : i32
        %dma_wait3A_188 = tpu.memref_slice %arg4[%dma_wait3A_187] : memref<16000192xf32, #tpu.memory_space<hbm>> -> memref<2048xf32, #tpu.memory_space<hbm>>
        %dma_wait3A_189 = arith.constant 0 : i32
        %dma_wait3A_190 = tpu.memref_slice %arg6[%dma_wait3A_189] : memref<8192xf32, #tpu.memory_space<vmem>> -> memref<2048xf32, #tpu.memory_space<vmem>>
        tpu.wait_dma2 semaphore(%arg8 : memref<!tpu.dma_semaphore, #tpu.memory_space<semaphore_mem>>) src(%dma_wait3A_190 : memref<2048xf32, #tpu.memory_space<vmem>>) dst(%dma_wait3A_188 : memref<2048xf32, #tpu.memory_space<hbm>>)
      } else {
      }
      %mul3A_164 = arith.constant 16 : i32
      %mul3A_165 = arith.muli %and3A_125, %mul3A_164 : i32
      %broadcast_in_dim3A = vector.broadcast %mul3A_165 : i32 to vector<16xi32>
      %add3A_166 = arith.addi %broadcast_in_dim3A, %iota3A : vector<16xi32>
      %mul3A_167 = arith.constant 2048 : i32
      %mul3A_168 = arith.muli %and3A_125, %mul3A_167 : i32
      %parallel_loop3A = arith.constant 0 : i32
      %parallel_loop3A_169 = arith.constant 128 : i32
      %parallel_loop3A_170 = arith.constant 1 : i32
      scf.for %parallel_loop3A_183 = %parallel_loop3A to %parallel_loop3A_169 step %parallel_loop3A_170  : i32 {
        %parallel_loop3A_184 = arith.constant 0 : i32
        %parallel_loop3A_185 = vector.broadcast %parallel_loop3A_184 : i32 to vector<16xi32>
        %parallel_loop3A_186 = vector.broadcast %parallel_loop3A_183 : i32 to vector<16xi32>
        %parallel_loop3A_187 = arith.addi %parallel_loop3A_185, %parallel_loop3A_186 : vector<16xi32>
        %parallel_loop3A_188 = tpu.vector_load_idx %arg5[%add3A_166, %parallel_loop3A_187] : memref<64x137xf32, #tpu.memory_space<vmem>>[vector<16xi32>, vector<16xi32>], vector<16xf32>,
        %parallel_loop3A_189 = arith.constant 16 : i32
        %parallel_loop3A_190 = arith.muli %parallel_loop3A_183, %parallel_loop3A_189 : i32
        %parallel_loop3A_191 = arith.addi %mul3A_168, %parallel_loop3A_190 : i32
        %parallel_loop3A_192 = arith.index_cast %parallel_loop3A_191 : i32 to index
        %parallel_loop3A_193 = tpu.vector_load %arg6[%parallel_loop3A_192] {strides = array<i32>} : memref<8192xf32, #tpu.memory_space<vmem>>, vector<16xf32>,
        tpu.vector_store %arg6[%parallel_loop3A_192], %parallel_loop3A_188 {strides = array<i32>} : memref<8192xf32, #tpu.memory_space<vmem>>, vector<16xf32>,
      } {sc.loop_unroll_factor = 16 : i64, sc.parallel_access}
      %add3A_171 = arith.addi %add3A_7, %while3A_124 : i32
      %mul3A_172 = arith.constant 128 : i32
      %mul3A_173 = arith.muli %add3A_171, %mul3A_172 : i32
      %multiple_of3A_174 = tpu.assume_multiple %mul3A_173, 128 : i32
      %mul3A_175 = arith.constant 2048 : i32
      %mul3A_176 = arith.muli %and3A_125, %mul3A_175 : i32
      %mul3A_177 = arith.constant 16 : i32
      %mul3A_178 = arith.muli %multiple_of3A_174, %mul3A_177 : i32
      %dma_start3A_179 = tpu.memref_slice %arg6[%mul3A_176] : memref<8192xf32, #tpu.memory_space<vmem>> -> memref<2048xf32, #tpu.memory_space<vmem>>
      %dma_start3A_180 = tpu.memref_slice %arg4[%mul3A_178] : memref<16000192xf32, #tpu.memory_space<hbm>> -> memref<2048xf32, #tpu.memory_space<hbm>>
      %dma_start3A_181 = tpu.memref_slice %arg4[%mul3A_178] : memref<16000192xf32, #tpu.memory_space<hbm>> -> memref<2048xf32, #tpu.memory_space<hbm>>
      %dma_start3A_182 = tpu.memref_slice %arg6[%mul3A_176] : memref<8192xf32, #tpu.memory_space<vmem>> -> memref<2048xf32, #tpu.memory_space<vmem>>
      tpu.enqueue_dma source(%dma_start3A_182 : memref<2048xf32, #tpu.memory_space<vmem>>) target(%dma_start3A_181 : memref<2048xf32, #tpu.memory_space<hbm>>) target_semaphore(%arg8 : memref<!tpu.dma_semaphore, #tpu.memory_space<semaphore_mem>>)
    }
    %while3A_89 = arith.constant 1 : i32
    scf.for %while3A_124 = %while3A_87 to %while3A_83 step %while3A_89  : i32 {
      %and3A = arith.constant 3 : i32
      %and3A_125 = arith.andi %while3A_124, %and3A : i32
      %mul3A_126 = arith.constant 16 : i32
      %mul3A_127 = arith.muli %and3A_125, %mul3A_126 : i32
      %add3A_128 = arith.constant 0 : i32
      %add3A_129 = arith.addi %mul3A_127, %add3A_128 : i32
      %dma_wait3A_130 = arith.constant 0 : i32
      %dma_wait3A_131 = tpu.memref_slice %arg5[%add3A_129, %dma_wait3A_130] : memref<64x137xf32, #tpu.memory_space<vmem>> -> memref<8x128xf32, #tpu.memory_space<vmem>>
      %dma_wait3A_132 = arith.constant 0 : i32
      %dma_wait3A_133 = arith.constant 0 : i32
      %dma_wait3A_134 = tpu.memref_slice %arg2[%dma_wait3A_132, %dma_wait3A_133] : memref<16x1000012xf32, #tpu.memory_space<hbm>> -> memref<8x128xf32, #tpu.memory_space<hbm>>
      %dma_wait3A_135 = arith.constant 0 : i32
      %dma_wait3A_136 = tpu.memref_slice %arg5[%add3A_129, %dma_wait3A_135] : memref<64x137xf32, #tpu.memory_space<vmem>> -> memref<8x128xf32, #tpu.memory_space<vmem>>
      %dma_wait3A_137 = arith.constant 0 : i32
      %dma_wait3A_138 = arith.constant 0 : i32
      %dma_wait3A_139 = tpu.memref_slice %arg2[%dma_wait3A_137, %dma_wait3A_138] : memref<16x1000012xf32, #tpu.memory_space<hbm>> -> memref<8x128xf32, #tpu.memory_space<hbm>>
      tpu.wait_dma2 semaphore(%arg7 : memref<!tpu.dma_semaphore, #tpu.memory_space<semaphore_mem>>) src(%dma_wait3A_139 : memref<8x128xf32, #tpu.memory_space<hbm>>) dst(%dma_wait3A_136 : memref<8x128xf32, #tpu.memory_space<vmem>>)
      %mul3A_140 = arith.constant 16 : i32
      %mul3A_141 = arith.muli %and3A_125, %mul3A_140 : i32
      %add3A_142 = arith.constant 8 : i32
      %add3A_143 = arith.addi %mul3A_141, %add3A_142 : i32
      %dma_wait3A_144 = arith.constant 0 : i32
      %dma_wait3A_145 = tpu.memref_slice %arg5[%add3A_143, %dma_wait3A_144] : memref<64x137xf32, #tpu.memory_space<vmem>> -> memref<8x128xf32, #tpu.memory_space<vmem>>
      %dma_wait3A_146 = arith.constant 0 : i32
      %dma_wait3A_147 = arith.constant 0 : i32
      %dma_wait3A_148 = tpu.memref_slice %arg2[%dma_wait3A_146, %dma_wait3A_147] : memref<16x1000012xf32, #tpu.memory_space<hbm>> -> memref<8x128xf32, #tpu.memory_space<hbm>>
      %dma_wait3A_149 = arith.constant 0 : i32
      %dma_wait3A_150 = tpu.memref_slice %arg5[%add3A_143, %dma_wait3A_149] : memref<64x137xf32, #tpu.memory_space<vmem>> -> memref<8x128xf32, #tpu.memory_space<vmem>>
      %dma_wait3A_151 = arith.constant 0 : i32
      %dma_wait3A_152 = arith.constant 0 : i32
      %dma_wait3A_153 = tpu.memref_slice %arg2[%dma_wait3A_151, %dma_wait3A_152] : memref<16x1000012xf32, #tpu.memory_space<hbm>> -> memref<8x128xf32, #tpu.memory_space<hbm>>
      tpu.wait_dma2 semaphore(%arg7 : memref<!tpu.dma_semaphore, #tpu.memory_space<semaphore_mem>>) src(%dma_wait3A_153 : memref<8x128xf32, #tpu.memory_space<hbm>>) dst(%dma_wait3A_150 : memref<8x128xf32, #tpu.memory_space<vmem>>)
      %add3A_154 = arith.constant 3 : i32
      %add3A_155 = arith.addi %while3A_124, %add3A_154 : i32
      %lt3A_156 = arith.cmpi slt, %add3A_155, %add3A_3 : i32
      %convert_element_type3A_157 = arith.extui %lt3A_156 : i1 to i32
      %cond3A_158 = arith.constant 0 : i32
      %cond3A_159 = arith.cmpi ne, %convert_element_type3A_157, %cond3A_158 : i32
      scf.if %cond3A_159 {
        %add3A_183 = arith.constant 3 : i32
        %add3A_184 = arith.addi %while3A_124, %add3A_183 : i32
        %add3A_185 = arith.constant 3 : i32
        %add3A_186 = arith.addi %while3A_124, %add3A_185 : i32
        %and3A_187 = arith.constant 3 : i32
        %and3A_188 = arith.andi %add3A_186, %and3A_187 : i32
        %add3A_189 = arith.addi %add3A_7, %add3A_184 : i32
        %mul3A_190 = arith.constant 128 : i32
        %mul3A_191 = arith.muli %add3A_189, %mul3A_190 : i32
        %multiple_of3A_192 = tpu.assume_multiple %mul3A_191, 128 : i32
        %mul3A_193 = arith.constant 16 : i32
        %mul3A_194 = arith.muli %and3A_188, %mul3A_193 : i32
        %dma_start3A_195 = arith.constant 0 : i32
        %dma_start3A_196 = tpu.memref_slice %arg5[%mul3A_194, %dma_start3A_195] : memref<64x137xf32, #tpu.memory_space<vmem>> -> memref<8x128xf32, #tpu.memory_space<vmem>>
        %dma_start3A_197 = arith.constant 0 : i32
        %dma_start3A_198 = tpu.memref_slice %arg2[%dma_start3A_197, %multiple_of3A_192] : memref<16x1000012xf32, #tpu.memory_space<hbm>> -> memref<8x128xf32, #tpu.memory_space<hbm>>
        %dma_start3A_199 = arith.constant 0 : i32
        %dma_start3A_200 = tpu.memref_slice %arg5[%mul3A_194, %dma_start3A_199] : memref<64x137xf32, #tpu.memory_space<vmem>> -> memref<8x128xf32, #tpu.memory_space<vmem>>
        %dma_start3A_201 = arith.constant 0 : i32
        %dma_start3A_202 = tpu.memref_slice %arg2[%dma_start3A_201, %multiple_of3A_192] : memref<16x1000012xf32, #tpu.memory_space<hbm>> -> memref<8x128xf32, #tpu.memory_space<hbm>>
        tpu.enqueue_dma source(%dma_start3A_202 : memref<8x128xf32, #tpu.memory_space<hbm>>) target(%dma_start3A_200 : memref<8x128xf32, #tpu.memory_space<vmem>>) target_semaphore(%arg7 : memref<!tpu.dma_semaphore, #tpu.memory_space<semaphore_mem>>)
        %mul3A_203 = arith.constant 16 : i32
        %mul3A_204 = arith.muli %and3A_188, %mul3A_203 : i32
        %add3A_205 = arith.constant 8 : i32
        %add3A_206 = arith.addi %mul3A_204, %add3A_205 : i32
        %dma_start3A_207 = arith.constant 0 : i32
        %dma_start3A_208 = tpu.memref_slice %arg5[%add3A_206, %dma_start3A_207] : memref<64x137xf32, #tpu.memory_space<vmem>> -> memref<8x128xf32, #tpu.memory_space<vmem>>
        %dma_start3A_209 = arith.constant 8 : i32
        %dma_start3A_210 = tpu.memref_slice %arg2[%dma_start3A_209, %multiple_of3A_192] : memref<16x1000012xf32, #tpu.memory_space<hbm>> -> memref<8x128xf32, #tpu.memory_space<hbm>>
        %dma_start3A_211 = arith.constant 0 : i32
        %dma_start3A_212 = tpu.memref_slice %arg5[%add3A_206, %dma_start3A_211] : memref<64x137xf32, #tpu.memory_space<vmem>> -> memref<8x128xf32, #tpu.memory_space<vmem>>
        %dma_start3A_213 = arith.constant 8 : i32
        %dma_start3A_214 = tpu.memref_slice %arg2[%dma_start3A_213, %multiple_of3A_192] : memref<16x1000012xf32, #tpu.memory_space<hbm>> -> memref<8x128xf32, #tpu.memory_space<hbm>>
        tpu.enqueue_dma source(%dma_start3A_214 : memref<8x128xf32, #tpu.memory_space<hbm>>) target(%dma_start3A_212 : memref<8x128xf32, #tpu.memory_space<vmem>>) target_semaphore(%arg7 : memref<!tpu.dma_semaphore, #tpu.memory_space<semaphore_mem>>)
      } else {
      }
      %ge3A = arith.constant 4 : i32
      %ge3A_160 = arith.cmpi sge, %while3A_124, %ge3A : i32
      %convert_element_type3A_161 = arith.extui %ge3A_160 : i1 to i32
      %cond3A_162 = arith.constant 0 : i32
      %cond3A_163 = arith.cmpi ne, %convert_element_type3A_161, %cond3A_162 : i32
      scf.if %cond3A_163 {
        %dma_wait3A_183 = arith.constant 0 : i32
        %dma_wait3A_184 = tpu.memref_slice %arg6[%dma_wait3A_183] : memref<8192xf32, #tpu.memory_space<vmem>> -> memref<2048xf32, #tpu.memory_space<vmem>>
        %dma_wait3A_185 = arith.constant 0 : i32
        %dma_wait3A_186 = tpu.memref_slice %arg4[%dma_wait3A_185] : memref<16000192xf32, #tpu.memory_space<hbm>> -> memref<2048xf32, #tpu.memory_space<hbm>>
        %dma_wait3A_187 = arith.constant 0 : i32
        %dma_wait3A_188 = tpu.memref_slice %arg4[%dma_wait3A_187] : memref<16000192xf32, #tpu.memory_space<hbm>> -> memref<2048xf32, #tpu.memory_space<hbm>>
        %dma_wait3A_189 = arith.constant 0 : i32
        %dma_wait3A_190 = tpu.memref_slice %arg6[%dma_wait3A_189] : memref<8192xf32, #tpu.memory_space<vmem>> -> memref<2048xf32, #tpu.memory_space<vmem>>
        tpu.wait_dma2 semaphore(%arg8 : memref<!tpu.dma_semaphore, #tpu.memory_space<semaphore_mem>>) src(%dma_wait3A_190 : memref<2048xf32, #tpu.memory_space<vmem>>) dst(%dma_wait3A_188 : memref<2048xf32, #tpu.memory_space<hbm>>)
      } else {
      }
      %mul3A_164 = arith.constant 16 : i32
      %mul3A_165 = arith.muli %and3A_125, %mul3A_164 : i32
      %broadcast_in_dim3A = vector.broadcast %mul3A_165 : i32 to vector<16xi32>
      %add3A_166 = arith.addi %broadcast_in_dim3A, %iota3A : vector<16xi32>
      %mul3A_167 = arith.constant 2048 : i32
      %mul3A_168 = arith.muli %and3A_125, %mul3A_167 : i32
      %parallel_loop3A = arith.constant 0 : i32
      %parallel_loop3A_169 = arith.constant 128 : i32
      %parallel_loop3A_170 = arith.constant 1 : i32
      scf.for %parallel_loop3A_183 = %parallel_loop3A to %parallel_loop3A_169 step %parallel_loop3A_170  : i32 {
        %parallel_loop3A_184 = arith.constant 0 : i32
        %parallel_loop3A_185 = vector.broadcast %parallel_loop3A_184 : i32 to vector<16xi32>
        %parallel_loop3A_186 = vector.broadcast %parallel_loop3A_183 : i32 to vector<16xi32>
        %parallel_loop3A_187 = arith.addi %parallel_loop3A_185, %parallel_loop3A_186 : vector<16xi32>
        %parallel_loop3A_188 = tpu.vector_load_idx %arg5[%add3A_166, %parallel_loop3A_187] : memref<64x137xf32, #tpu.memory_space<vmem>>[vector<16xi32>, vector<16xi32>], vector<16xf32>,
        %parallel_loop3A_189 = arith.constant 16 : i32
        %parallel_loop3A_190 = arith.muli %parallel_loop3A_183, %parallel_loop3A_189 : i32
        %parallel_loop3A_191 = arith.addi %mul3A_168, %parallel_loop3A_190 : i32
        %parallel_loop3A_192 = arith.index_cast %parallel_loop3A_191 : i32 to index
        %parallel_loop3A_193 = tpu.vector_load %arg6[%parallel_loop3A_192] {strides = array<i32>} : memref<8192xf32, #tpu.memory_space<vmem>>, vector<16xf32>,
        tpu.vector_store %arg6[%parallel_loop3A_192], %parallel_loop3A_188 {strides = array<i32>} : memref<8192xf32, #tpu.memory_space<vmem>>, vector<16xf32>,
      } {sc.loop_unroll_factor = 16 : i64, sc.parallel_access}
      %add3A_171 = arith.addi %add3A_7, %while3A_124 : i32
      %mul3A_172 = arith.constant 128 : i32
      %mul3A_173 = arith.muli %add3A_171, %mul3A_172 : i32
      %multiple_of3A_174 = tpu.assume_multiple %mul3A_173, 128 : i32
      %mul3A_175 = arith.constant 2048 : i32
      %mul3A_176 = arith.muli %and3A_125, %mul3A_175 : i32
      %mul3A_177 = arith.constant 16 : i32
      %mul3A_178 = arith.muli %multiple_of3A_174, %mul3A_177 : i32
      %dma_start3A_179 = tpu.memref_slice %arg6[%mul3A_176] : memref<8192xf32, #tpu.memory_space<vmem>> -> memref<2048xf32, #tpu.memory_space<vmem>>
      %dma_start3A_180 = tpu.memref_slice %arg4[%mul3A_178] : memref<16000192xf32, #tpu.memory_space<hbm>> -> memref<2048xf32, #tpu.memory_space<hbm>>
      %dma_start3A_181 = tpu.memref_slice %arg4[%mul3A_178] : memref<16000192xf32, #tpu.memory_space<hbm>> -> memref<2048xf32, #tpu.memory_space<hbm>>
      %dma_start3A_182 = tpu.memref_slice %arg6[%mul3A_176] : memref<8192xf32, #tpu.memory_space<vmem>> -> memref<2048xf32, #tpu.memory_space<vmem>>
      tpu.enqueue_dma source(%dma_start3A_182 : memref<2048xf32, #tpu.memory_space<vmem>>) target(%dma_start3A_181 : memref<2048xf32, #tpu.memory_space<hbm>>) target_semaphore(%arg8 : memref<!tpu.dma_semaphore, #tpu.memory_space<semaphore_mem>>)
    }
    %dma_wait3A = arith.constant 0 : i32
    %dma_wait3A_90 = tpu.memref_slice %arg6[%dma_wait3A] : memref<8192xf32, #tpu.memory_space<vmem>> -> memref<2048xf32, #tpu.memory_space<vmem>>
    %dma_wait3A_91 = arith.constant 0 : i32
    %dma_wait3A_92 = tpu.memref_slice %arg4[%dma_wait3A_91] : memref<16000192xf32, #tpu.memory_space<hbm>> -> memref<2048xf32, #tpu.memory_space<hbm>>
    %dma_wait3A_93 = arith.constant 0 : i32
    %dma_wait3A_94 = tpu.memref_slice %arg4[%dma_wait3A_93] : memref<16000192xf32, #tpu.memory_space<hbm>> -> memref<2048xf32, #tpu.memory_space<hbm>>
    %dma_wait3A_95 = arith.constant 0 : i32
    %dma_wait3A_96 = tpu.memref_slice %arg6[%dma_wait3A_95] : memref<8192xf32, #tpu.memory_space<vmem>> -> memref<2048xf32, #tpu.memory_space<vmem>>
    tpu.wait_dma2 semaphore(%arg8 : memref<!tpu.dma_semaphore, #tpu.memory_space<semaphore_mem>>) src(%dma_wait3A_96 : memref<2048xf32, #tpu.memory_space<vmem>>) dst(%dma_wait3A_94 : memref<2048xf32, #tpu.memory_space<hbm>>)
    %dma_wait3A_97 = arith.constant 0 : i32
    %dma_wait3A_98 = tpu.memref_slice %arg6[%dma_wait3A_97] : memref<8192xf32, #tpu.memory_space<vmem>> -> memref<2048xf32, #tpu.memory_space<vmem>>
    %dma_wait3A_99 = arith.constant 0 : i32
    %dma_wait3A_100 = tpu.memref_slice %arg4[%dma_wait3A_99] : memref<16000192xf32, #tpu.memory_space<hbm>> -> memref<2048xf32, #tpu.memory_space<hbm>>
    %dma_wait3A_101 = arith.constant 0 : i32
    %dma_wait3A_102 = tpu.memref_slice %arg4[%dma_wait3A_101] : memref<16000192xf32, #tpu.memory_space<hbm>> -> memref<2048xf32, #tpu.memory_space<hbm>>
    %dma_wait3A_103 = arith.constant 0 : i32
    %dma_wait3A_104 = tpu.memref_slice %arg6[%dma_wait3A_103] : memref<8192xf32, #tpu.memory_space<vmem>> -> memref<2048xf32, #tpu.memory_space<vmem>>
    tpu.wait_dma2 semaphore(%arg8 : memref<!tpu.dma_semaphore, #tpu.memory_space<semaphore_mem>>) src(%dma_wait3A_104 : memref<2048xf32, #tpu.memory_space<vmem>>) dst(%dma_wait3A_102 : memref<2048xf32, #tpu.memory_space<hbm>>)
    %dma_wait3A_105 = arith.constant 0 : i32
    %dma_wait3A_106 = tpu.memref_slice %arg6[%dma_wait3A_105] : memref<8192xf32, #tpu.memory_space<vmem>> -> memref<2048xf32, #tpu.memory_space<vmem>>
    %dma_wait3A_107 = arith.constant 0 : i32
    %dma_wait3A_108 = tpu.memref_slice %arg4[%dma_wait3A_107] : memref<16000192xf32, #tpu.memory_space<hbm>> -> memref<2048xf32, #tpu.memory_space<hbm>>
    %dma_wait3A_109 = arith.constant 0 : i32
    %dma_wait3A_110 = tpu.memref_slice %arg4[%dma_wait3A_109] : memref<16000192xf32, #tpu.memory_space<hbm>> -> memref<2048xf32, #tpu.memory_space<hbm>>
    %dma_wait3A_111 = arith.constant 0 : i32
    %dma_wait3A_112 = tpu.memref_slice %arg6[%dma_wait3A_111] : memref<8192xf32, #tpu.memory_space<vmem>> -> memref<2048xf32, #tpu.memory_space<vmem>>
    tpu.wait_dma2 semaphore(%arg8 : memref<!tpu.dma_semaphore, #tpu.memory_space<semaphore_mem>>) src(%dma_wait3A_112 : memref<2048xf32, #tpu.memory_space<vmem>>) dst(%dma_wait3A_110 : memref<2048xf32, #tpu.memory_space<hbm>>)
    %dma_wait3A_113 = arith.constant 0 : i32
    %dma_wait3A_114 = tpu.memref_slice %arg6[%dma_wait3A_113] : memref<8192xf32, #tpu.memory_space<vmem>> -> memref<2048xf32, #tpu.memory_space<vmem>>
    %dma_wait3A_115 = arith.constant 0 : i32
    %dma_wait3A_116 = tpu.memref_slice %arg4[%dma_wait3A_115] : memref<16000192xf32, #tpu.memory_space<hbm>> -> memref<2048xf32, #tpu.memory_space<hbm>>
    %dma_wait3A_117 = arith.constant 0 : i32
    %dma_wait3A_118 = tpu.memref_slice %arg4[%dma_wait3A_117] : memref<16000192xf32, #tpu.memory_space<hbm>> -> memref<2048xf32, #tpu.memory_space<hbm>>
    %dma_wait3A_119 = arith.constant 0 : i32
    %dma_wait3A_120 = tpu.memref_slice %arg6[%dma_wait3A_119] : memref<8192xf32, #tpu.memory_space<vmem>> -> memref<2048xf32, #tpu.memory_space<vmem>>
    tpu.wait_dma2 semaphore(%arg8 : memref<!tpu.dma_semaphore, #tpu.memory_space<semaphore_mem>>) src(%dma_wait3A_120 : memref<2048xf32, #tpu.memory_space<vmem>>) dst(%dma_wait3A_118 : memref<2048xf32, #tpu.memory_space<hbm>>)
    %eq3A = arith.constant 31 : i32
    %eq3A_121 = arith.cmpi eq, %add3A, %eq3A : i32
    %convert_element_type3A_122 = arith.extui %eq3A_121 : i1 to i32
    %cond3A = arith.constant 0 : i32
    %cond3A_123 = arith.cmpi ne, %convert_element_type3A_122, %cond3A : i32
    scf.if %cond3A_123 {
      "tpu.region"() ({
        %run_scoped3A = tpu.sem_alloc : memref<!tpu.dma_semaphore, #tpu.memory_space<semaphore_mem>>
        %dma_start3A_124 = arith.constant 0 : i32
        %dma_start3A_125 = tpu.memref_slice %arg6[%dma_start3A_124] : memref<8192xf32, #tpu.memory_space<vmem>> -> memref<1216xf32, #tpu.memory_space<vmem>>
        %dma_start3A_126 = arith.constant 0 : i32
        %dma_start3A_127 = tpu.memref_slice %arg6[%dma_start3A_126] : memref<8192xf32, #tpu.memory_space<vmem>> -> memref<1216xf32, #tpu.memory_space<vmem>>
        tpu.enqueue_dma source(%arg3 : memref<1216xf32, #tpu.memory_space<hbm>>) target(%dma_start3A_127 : memref<1216xf32, #tpu.memory_space<vmem>>) target_semaphore(%run_scoped3A : memref<!tpu.dma_semaphore, #tpu.memory_space<semaphore_mem>>)
        %dma_wait3A_128 = arith.constant 0 : i32
        %dma_wait3A_129 = tpu.memref_slice %arg6[%dma_wait3A_128] : memref<8192xf32, #tpu.memory_space<vmem>> -> memref<1216xf32, #tpu.memory_space<vmem>>
        %dma_wait3A_130 = arith.constant 0 : i32
        %dma_wait3A_131 = tpu.memref_slice %arg6[%dma_wait3A_130] : memref<8192xf32, #tpu.memory_space<vmem>> -> memref<1216xf32, #tpu.memory_space<vmem>>
        tpu.wait_dma2 semaphore(%run_scoped3A : memref<!tpu.dma_semaphore, #tpu.memory_space<semaphore_mem>>) src(%arg3 : memref<1216xf32, #tpu.memory_space<hbm>>) dst(%dma_wait3A_131 : memref<1216xf32, #tpu.memory_space<vmem>>)
        tpu.yield
      }) : () -> ()
      "tpu.region"() ({
        %run_scoped3A = tpu.sem_alloc : memref<!tpu.dma_semaphore, #tpu.memory_space<semaphore_mem>>
        %dma_start3A_124 = arith.constant 0 : i32
        %dma_start3A_125 = tpu.memref_slice %arg6[%dma_start3A_124] : memref<8192xf32, #tpu.memory_space<vmem>> -> memref<1216xf32, #tpu.memory_space<vmem>>
        %dma_start3A_126 = arith.constant 15998976 : i32
        %dma_start3A_127 = tpu.memref_slice %arg4[%dma_start3A_126] : memref<16000192xf32, #tpu.memory_space<hbm>> -> memref<1216xf32, #tpu.memory_space<hbm>>
        %dma_start3A_128 = arith.constant 15998976 : i32
        %dma_start3A_129 = tpu.memref_slice %arg4[%dma_start3A_128] : memref<16000192xf32, #tpu.memory_space<hbm>> -> memref<1216xf32, #tpu.memory_space<hbm>>
        %dma_start3A_130 = arith.constant 0 : i32
        %dma_start3A_131 = tpu.memref_slice %arg6[%dma_start3A_130] : memref<8192xf32, #tpu.memory_space<vmem>> -> memref<1216xf32, #tpu.memory_space<vmem>>
        tpu.enqueue_dma source(%dma_start3A_131 : memref<1216xf32, #tpu.memory_space<vmem>>) target(%dma_start3A_129 : memref<1216xf32, #tpu.memory_space<hbm>>) target_semaphore(%run_scoped3A : memref<!tpu.dma_semaphore, #tpu.memory_space<semaphore_mem>>)
        %dma_wait3A_132 = arith.constant 0 : i32
        %dma_wait3A_133 = tpu.memref_slice %arg6[%dma_wait3A_132] : memref<8192xf32, #tpu.memory_space<vmem>> -> memref<1216xf32, #tpu.memory_space<vmem>>
        %dma_wait3A_134 = arith.constant 15998976 : i32
        %dma_wait3A_135 = tpu.memref_slice %arg4[%dma_wait3A_134] : memref<16000192xf32, #tpu.memory_space<hbm>> -> memref<1216xf32, #tpu.memory_space<hbm>>
        %dma_wait3A_136 = arith.constant 15998976 : i32
        %dma_wait3A_137 = tpu.memref_slice %arg4[%dma_wait3A_136] : memref<16000192xf32, #tpu.memory_space<hbm>> -> memref<1216xf32, #tpu.memory_space<hbm>>
        %dma_wait3A_138 = arith.constant 0 : i32
        %dma_wait3A_139 = tpu.memref_slice %arg6[%dma_wait3A_138] : memref<8192xf32, #tpu.memory_space<vmem>> -> memref<1216xf32, #tpu.memory_space<vmem>>
        tpu.wait_dma2 semaphore(%run_scoped3A : memref<!tpu.dma_semaphore, #tpu.memory_space<semaphore_mem>>) src(%dma_wait3A_139 : memref<1216xf32, #tpu.memory_space<vmem>>) dst(%dma_wait3A_137 : memref<1216xf32, #tpu.memory_space<hbm>>)
        tpu.yield
      }) : () -> ()
    } else {
    }
    return
  }
}

module attributes {stable_mosaic.version = 14 : i64} {
  func.func @_tc_body(%arg0: i32, %arg1: memref<2048x416xf32, #tpu.memory_space<vmem>>, %arg2: memref<2048x26xf32, #tpu.memory_space<vmem>>, %arg3: memref<2048x26xf32, #tpu.memory_space<vmem>>, %arg4: memref<416x256xf32, #tpu.memory_space<vmem>>, %arg5: memref<1x256xf32, #tpu.memory_space<vmem>>, %arg6: memref<256x128xf32, #tpu.memory_space<vmem>>, %arg7: memref<1x128xf32, #tpu.memory_space<vmem>>, %arg8: memref<128x1xf32, #tpu.memory_space<vmem>>, %arg9: memref<1x1xf32, #tpu.memory_space<vmem>>, %arg10: memref<1x1xf32, #tpu.memory_space<vmem>>, %arg11: memref<2048x1xf32, #tpu.memory_space<vmem>>) attributes {dimension_semantics = [#tpu.dimension_semantics<parallel>], iteration_bounds = array<i64: 8>, scalar_prefetch = 0 : i64, scratch_operands = 0 : i64, tpu.core_type = #tpu.core_type<tc>, window_params = [{transform_indices = @transform_0, window_bounds = array<i64: 2048, 416>}, {transform_indices = @transform_1, window_bounds = array<i64: 2048, 26>}, {transform_indices = @transform_2, window_bounds = array<i64: 2048, 26>}, {pipeline_mode = #tpu.pipeline_mode<synchronous>, transform_indices = @transform_3, window_bounds = array<i64: 416, 256>}, {pipeline_mode = #tpu.pipeline_mode<synchronous>, transform_indices = @transform_4, window_bounds = array<i64: 1, 256>}, {pipeline_mode = #tpu.pipeline_mode<synchronous>, transform_indices = @transform_5, window_bounds = array<i64: 256, 128>}, {pipeline_mode = #tpu.pipeline_mode<synchronous>, transform_indices = @transform_6, window_bounds = array<i64: 1, 128>}, {pipeline_mode = #tpu.pipeline_mode<synchronous>, transform_indices = @transform_7, window_bounds = array<i64: 128, 1>}, {pipeline_mode = #tpu.pipeline_mode<synchronous>, transform_indices = @transform_8, window_bounds = array<i64: 1, 1>}, {pipeline_mode = #tpu.pipeline_mode<synchronous>, transform_indices = @transform_9, window_bounds = array<i64: 1, 1>}, {transform_indices = @transform_10, window_bounds = array<i64: 2048, 1>}]} {
    %get3A = arith.constant 0 : index
    %get3A_0 = arith.constant 0 : index
    %get3A_1 = vector.load %arg1[%get3A, %get3A_0] : memref<2048x416xf32, #tpu.memory_space<vmem>>, vector<2048x416xf32>
    %get3A_2 = arith.constant 0 : index
    %get3A_3 = arith.constant 0 : index
    %get3A_4 = vector.load %arg2[%get3A_2, %get3A_3] : memref<2048x26xf32, #tpu.memory_space<vmem>>, vector<2048x26xf32>
    %iota3A = tpu.iota {dimensions = array<i32: 0>} : vector<26x416xi32>
    %iota3A_5 = tpu.iota {dimensions = array<i32: 1>} : vector<26x416xi32>
    %shift_right_logical3A = arith.constant 4 : i32
    %shift_right_logical3A_6 = vector.broadcast %shift_right_logical3A : i32 to vector<26x416xi32>
    %shift_right_logical3A_7 = arith.shrui %iota3A_5, %shift_right_logical3A_6 : vector<26x416xi32>
    %eq3A = arith.cmpi eq, %shift_right_logical3A_7, %iota3A : vector<26x416xi32>
    %convert_element_type3A = arith.extui %eq3A : vector<26x416xi1> to vector<26x416xi32>
    %convert_element_type3A_8 = arith.sitofp %convert_element_type3A : vector<26x416xi32> to vector<26x416xf32>
    %dot_general3A = arith.constant dense<0.000000e+00> : vector<2048x416xf32>
    %dot_general3A_9 = tpu.matmul %get3A_4, %convert_element_type3A_8, %dot_general3A {dimension_numbers = #tpu.dot_dimension_numbers<[1], [0], [0], [1], [0, 0, 1, 1], [], []>, transpose_lhs_hint = false} : vector<2048x26xf32>, vector<26x416xf32>, vector<2048x416xf32> -> vector<2048x416xf32>
    %mul3A = arith.mulf %get3A_1, %dot_general3A_9 : vector<2048x416xf32>
    %iota3A_10 = tpu.iota {dimensions = array<i32: 0>} : vector<416x16xi32>
    %iota3A_11 = tpu.iota {dimensions = array<i32: 1>} : vector<416x16xi32>
    %and3A = arith.constant 15 : i32
    %and3A_12 = vector.broadcast %and3A : i32 to vector<416x16xi32>
    %and3A_13 = arith.andi %iota3A_10, %and3A_12 : vector<416x16xi32>
    %eq3A_14 = arith.cmpi eq, %and3A_13, %iota3A_11 : vector<416x16xi32>
    %convert_element_type3A_15 = arith.extui %eq3A_14 : vector<416x16xi1> to vector<416x16xi32>
    %convert_element_type3A_16 = arith.sitofp %convert_element_type3A_15 : vector<416x16xi32> to vector<416x16xf32>
    %dot_general3A_17 = arith.constant dense<0.000000e+00> : vector<2048x16xf32>
    %dot_general3A_18 = tpu.matmul %mul3A, %convert_element_type3A_16, %dot_general3A_17 {dimension_numbers = #tpu.dot_dimension_numbers<[1], [0], [0], [1], [0, 0, 1, 1], [], []>, transpose_lhs_hint = false} : vector<2048x416xf32>, vector<416x16xf32>, vector<2048x16xf32> -> vector<2048x16xf32>
    %mul3A_19 = arith.mulf %mul3A, %mul3A : vector<2048x416xf32>
    %dot_general3A_20 = arith.constant dense<0.000000e+00> : vector<2048x16xf32>
    %dot_general3A_21 = tpu.matmul %mul3A_19, %convert_element_type3A_16, %dot_general3A_20 {dimension_numbers = #tpu.dot_dimension_numbers<[1], [0], [0], [1], [0, 0, 1, 1], [], []>, transpose_lhs_hint = false} : vector<2048x416xf32>, vector<416x16xf32>, vector<2048x16xf32> -> vector<2048x16xf32>
    %mul3A_22 = arith.mulf %dot_general3A_18, %dot_general3A_18 : vector<2048x16xf32>
    %sub3A = arith.subf %mul3A_22, %dot_general3A_21 : vector<2048x16xf32>
    %reduce_sum3A = arith.constant dense<0.000000e+00> : vector<2048xf32>
    %reduce_sum3A_23 = vector.multi_reduction <add>, %sub3A, %reduce_sum3A [1] : vector<2048x16xf32> to vector<2048xf32>
    %broadcast_in_dim3A = vector.shape_cast %reduce_sum3A_23 : vector<2048xf32> to vector<2048x1xf32>
    %mul3A_24 = arith.constant 5.000000e-01 : f32
    %mul3A_25 = vector.broadcast %mul3A_24 : f32 to vector<2048x1xf32>
    %mul3A_26 = arith.mulf %mul3A_25, %broadcast_in_dim3A : vector<2048x1xf32>
    %get3A_27 = arith.constant 0 : index
    %get3A_28 = arith.constant 0 : index
    %get3A_29 = vector.load %arg3[%get3A_27, %get3A_28] : memref<2048x26xf32, #tpu.memory_space<vmem>>, vector<2048x26xf32>
    %mul3A_30 = arith.mulf %get3A_29, %get3A_4 : vector<2048x26xf32>
    %reduce_sum3A_31 = arith.constant dense<0.000000e+00> : vector<2048xf32>
    %reduce_sum3A_32 = vector.multi_reduction <add>, %mul3A_30, %reduce_sum3A_31 [1] : vector<2048x26xf32> to vector<2048xf32>
    %broadcast_in_dim3A_33 = vector.shape_cast %reduce_sum3A_32 : vector<2048xf32> to vector<2048x1xf32>
    %get3A_34 = arith.constant 0 : index
    %get3A_35 = arith.constant 0 : index
    %get3A_36 = vector.load %arg10[%get3A_34, %get3A_35] : memref<1x1xf32, #tpu.memory_space<vmem>>, vector<1x1xf32>
    %get3A_37 = vector.extract %get3A_36[0, 0] : f32 from vector<1x1xf32>
    %add3A = vector.broadcast %get3A_37 : f32 to vector<2048x1xf32>
    %add3A_38 = arith.addf %broadcast_in_dim3A_33, %add3A : vector<2048x1xf32>
    %get3A_39 = arith.constant 0 : index
    %get3A_40 = arith.constant 0 : index
    %get3A_41 = vector.load %arg4[%get3A_39, %get3A_40] : memref<416x256xf32, #tpu.memory_space<vmem>>, vector<416x256xf32>
    %dot_general3A_42 = arith.constant dense<0.000000e+00> : vector<2048x256xf32>
    %dot_general3A_43 = tpu.matmul %mul3A, %get3A_41, %dot_general3A_42 {dimension_numbers = #tpu.dot_dimension_numbers<[1], [0], [0], [1], [0, 0, 1, 1], [], []>, transpose_lhs_hint = false} : vector<2048x416xf32>, vector<416x256xf32>, vector<2048x256xf32> -> vector<2048x256xf32>
    %get3A_44 = arith.constant 0 : index
    %get3A_45 = arith.constant 0 : index
    %get3A_46 = vector.load %arg5[%get3A_44, %get3A_45] : memref<1x256xf32, #tpu.memory_space<vmem>>, vector<1x256xf32>
    %add3A_47 = vector.broadcast %get3A_46 : vector<1x256xf32> to vector<2048x256xf32>
    %add3A_48 = arith.addf %dot_general3A_43, %add3A_47 : vector<2048x256xf32>
    %max3A = arith.constant 0.000000e+00 : f32
    %max3A_49 = vector.broadcast %max3A : f32 to vector<2048x256xf32>
    %max3A_50 = arith.maximumf %add3A_48, %max3A_49 : vector<2048x256xf32>
    %get3A_51 = arith.constant 0 : index
    %get3A_52 = arith.constant 0 : index
    %get3A_53 = vector.load %arg6[%get3A_51, %get3A_52] : memref<256x128xf32, #tpu.memory_space<vmem>>, vector<256x128xf32>
    %dot_general3A_54 = arith.constant dense<0.000000e+00> : vector<2048x128xf32>
    %dot_general3A_55 = tpu.matmul %max3A_50, %get3A_53, %dot_general3A_54 {dimension_numbers = #tpu.dot_dimension_numbers<[1], [0], [0], [1], [0, 0, 1, 1], [], []>, transpose_lhs_hint = false} : vector<2048x256xf32>, vector<256x128xf32>, vector<2048x128xf32> -> vector<2048x128xf32>
    %get3A_56 = arith.constant 0 : index
    %get3A_57 = arith.constant 0 : index
    %get3A_58 = vector.load %arg7[%get3A_56, %get3A_57] : memref<1x128xf32, #tpu.memory_space<vmem>>, vector<1x128xf32>
    %add3A_59 = vector.broadcast %get3A_58 : vector<1x128xf32> to vector<2048x128xf32>
    %add3A_60 = arith.addf %dot_general3A_55, %add3A_59 : vector<2048x128xf32>
    %max3A_61 = arith.constant 0.000000e+00 : f32
    %max3A_62 = vector.broadcast %max3A_61 : f32 to vector<2048x128xf32>
    %max3A_63 = arith.maximumf %add3A_60, %max3A_62 : vector<2048x128xf32>
    %get3A_64 = arith.constant 0 : index
    %get3A_65 = arith.constant 0 : index
    %get3A_66 = vector.load %arg8[%get3A_64, %get3A_65] : memref<128x1xf32, #tpu.memory_space<vmem>>, vector<128x1xf32>
    %dot_general3A_67 = arith.constant dense<0.000000e+00> : vector<2048x1xf32>
    %dot_general3A_68 = tpu.matmul %max3A_63, %get3A_66, %dot_general3A_67 {dimension_numbers = #tpu.dot_dimension_numbers<[1], [0], [0], [1], [0, 0, 1, 1], [], []>, transpose_lhs_hint = false} : vector<2048x128xf32>, vector<128x1xf32>, vector<2048x1xf32> -> vector<2048x1xf32>
    %add3A_69 = arith.addf %add3A_38, %mul3A_26 : vector<2048x1xf32>
    %add3A_70 = arith.addf %add3A_69, %dot_general3A_68 : vector<2048x1xf32>
    %get3A_71 = arith.constant 0 : index
    %get3A_72 = arith.constant 0 : index
    %get3A_73 = vector.load %arg9[%get3A_71, %get3A_72] : memref<1x1xf32, #tpu.memory_space<vmem>>, vector<1x1xf32>
    %get3A_74 = vector.extract %get3A_73[0, 0] : f32 from vector<1x1xf32>
    %add3A_75 = vector.broadcast %get3A_74 : f32 to vector<2048x1xf32>
    %add3A_76 = arith.addf %add3A_70, %add3A_75 : vector<2048x1xf32>
    %swap3A = arith.constant 0 : index
    %swap3A_77 = arith.constant 0 : index
    %swap3A_78 = vector.load %arg11[%swap3A, %swap3A_77] : memref<2048x1xf32, #tpu.memory_space<vmem>>, vector<2048x1xf32>
    tpu.vector_store %arg11[%swap3A, %swap3A_77], %add3A_76 {strides = array<i32>} : memref<2048x1xf32, #tpu.memory_space<vmem>>, vector<2048x1xf32>,
    return
  }
  func.func @transform_0(%arg0: i32) -> (i32, i32) {
    %c0_i32 = arith.constant 0 : i32
    %c0_i32_0 = arith.constant 0 : i32
    return %arg0, %c0_i32 : i32, i32
  }
  func.func @transform_1(%arg0: i32) -> (i32, i32) {
    %c0_i32 = arith.constant 0 : i32
    %c0_i32_0 = arith.constant 0 : i32
    return %arg0, %c0_i32 : i32, i32
  }
  func.func @transform_2(%arg0: i32) -> (i32, i32) {
    %c0_i32 = arith.constant 0 : i32
    %c0_i32_0 = arith.constant 0 : i32
    return %arg0, %c0_i32 : i32, i32
  }
  func.func @transform_3(%arg0: i32) -> (i32, i32) {
    %c0_i32 = arith.constant 0 : i32
    %c0_i32_0 = arith.constant 0 : i32
    %c0_i32_1 = arith.constant 0 : i32
    return %c0_i32, %c0_i32_0 : i32, i32
  }
  func.func @transform_4(%arg0: i32) -> (i32, i32) {
    %c0_i32 = arith.constant 0 : i32
    %c0_i32_0 = arith.constant 0 : i32
    %c0_i32_1 = arith.constant 0 : i32
    return %c0_i32, %c0_i32_0 : i32, i32
  }
  func.func @transform_5(%arg0: i32) -> (i32, i32) {
    %c0_i32 = arith.constant 0 : i32
    %c0_i32_0 = arith.constant 0 : i32
    %c0_i32_1 = arith.constant 0 : i32
    return %c0_i32, %c0_i32_0 : i32, i32
  }
  func.func @transform_6(%arg0: i32) -> (i32, i32) {
    %c0_i32 = arith.constant 0 : i32
    %c0_i32_0 = arith.constant 0 : i32
    %c0_i32_1 = arith.constant 0 : i32
    return %c0_i32, %c0_i32_0 : i32, i32
  }
  func.func @transform_7(%arg0: i32) -> (i32, i32) {
    %c0_i32 = arith.constant 0 : i32
    %c0_i32_0 = arith.constant 0 : i32
    %c0_i32_1 = arith.constant 0 : i32
    return %c0_i32, %c0_i32_0 : i32, i32
  }
  func.func @transform_8(%arg0: i32) -> (i32, i32) {
    %c0_i32 = arith.constant 0 : i32
    %c0_i32_0 = arith.constant 0 : i32
    %c0_i32_1 = arith.constant 0 : i32
    return %c0_i32, %c0_i32_0 : i32, i32
  }
  func.func @transform_9(%arg0: i32) -> (i32, i32) {
    %c0_i32 = arith.constant 0 : i32
    %c0_i32_0 = arith.constant 0 : i32
    %c0_i32_1 = arith.constant 0 : i32
    return %c0_i32, %c0_i32_0 : i32, i32
  }
  func.func @transform_10(%arg0: i32) -> (i32, i32) {
    %c0_i32 = arith.constant 0 : i32
    %c0_i32_0 = arith.constant 0 : i32
    return %arg0, %c0_i32 : i32, i32
  }
}

</mosaic_0001>

<sc_bundles>
// kernel: kernel.5.cloned.1.call-start
scs
__scs_entry_jumppad:
0x0: {  	(pc) =	sbr.rel $0x88, $3  }
0x1: {  	(tag) =	ssettag $0x0;
	lr =	simm.s32 $0x1  }
0x2: {  	[smem:$0x3F95] =	sst lr;
	_ =	strace $0xD0000000  }
0x3: {  	_ = 	snop  }
0x4: {  	_ = 	snop  }
0x5: {  	_ = 	snop  }
0x6: {  	_ = 	snop  }
0x7: {  	_ = 	snop  }
__scs_overlays_trampoline_lowered:
0x8: {  	[smem:$0x3FA4] =	sst s0  }
0x9: {  	[smem:$0x3FA5] =	sst s1  }
0xa: {  	[smem:$0x3FA6] =	sst s2  }
0xb: {  	[smem:$0x3FA7] =	sst s3  }
0xc: {  	[smem:$0x3FA8] =	sst s4  }
0xd: {  	[smem:$0x3FA9] =	sst s5  }
0xe: {  	[smem:$0x3FAA] =	sst s6  }
0xf: {  	[smem:$0x3FAB] =	sst s7  }
0x10: {  	[smem:$0x3FAC] =	sst s8  }
0x11: {  	[smem:$0x3FAD] =	sst s9;
	s0 =	simm.s32 @!p0 $0x0  }
0x12: {  	s1 =	sld [smem:$0x3F93];
	s0 =	simm.s32 @p0 $0x1  }
0x13: {  	[smem:$0x3FAE] =	sst s0;
	s0 =	simm.s32 @!p1 $0x0  }
0x14: {  	s2 =	sld [smem:$0x3F92];
	s0 =	simm.s32 @p1 $0x1  }
0x15: {  	[smem:$0x3FAF] =	sst s0;
	s0 =	simm.s32 @!p2 $0x0  }
0x16: {  	s3 =	sld [smem:$0x3FDB];
	s0 =	simm.s32 @p2 $0x1  }
0x17: {  	s4 =	simm.s32 $0x1BF5;
	[smem:$0x3FB1] =	sst s0  }
0x18: {  	s0 =	sld [smem:$0x3F94];
	_ =	swait.ge [sflag:s4], $0x0  }
0x19: {  	s7 =	sld [smem:$0x3F95]  }
0x1a: {  	s8 =	sadd.s32 $0xFFFFE003, lr  }
0x1b: {  	s9 =	sadd.s32 $0xFFFFFEF7, lr;
	s5 =	simm.s32 $0xFFFFFFFF;
	p2 =	slt.u32 s8, $0xFFFFF086  }
0x1c: {  	p1 =	slt.u32 s9, $0xF7A;
	s5 =	simm.s32 @!p2 $0x0  }
0x1d: {  	s5 =	simm.s32 @p1 $0x1;
	p0 =	seq.s32 s7, s2  }
0x1e: {  	s7 =	smul.u32 @!p0 $0xF7A, s2;
	p2 =	seq.s32 @!p0 s5, $0x0  }
0x1f: {  	s9 =	smul.u32 $0xF7A, s1;
	s8 =	simm.s32 @!p0 $0x1BF5;
	p2 =	por !p2, p0  }
0x20: {  	[sflag:s8] =	ssyncset.s32 @!p0 $0xFFFFF086;
	s6 =	sadd.s32 @!p0 s3, s7;
	s7 =	simm.s32 @!p0 $0x108  }
0x21: {  	s3 =	sadd.s32 s3, s9;
	s6 =	sadd.s32 @!p0 $0x88, s6;
	s7 =	simm.s32 @p2 $0x1082  }
0x22: {  	[simem:s7], [sflag:s8] =	dma.local @!p0 [hbm:s6], $0xF7A  }
0x23: {  	s9 =	sor.u32 $0xD0000000, s2;
	s6 =	simm.s32 $0x108;
	_ =	swait.ge @!p0 [sflag:s8], $0x0  }
0x24: {  	s3 =	sadd.s32 $0x88, s3;
	s6 =	simm.s32 @!p1 $0x1082;
	[sflag:s4] =	ssyncset.s32 $0xFFFFF086  }
0x25: {  	[simem:s6], [sflag:s4] =	dma.local [hbm:s3], $0xF7A  }
0x26: {  	[smem:$0x3F95] =	sst s1;
	(tag) =	ssettag s2;
	_ =	strace s9  }
0x27: {  	s1 =	sld [smem:$0x3FA5]  }
0x28: {  	s2 =	sld [smem:$0x3FA6]  }
0x29: {  	s4 =	sld [smem:$0x3FA8]  }
0x2a: {  	p0 =	seq.s32 s5, $0x0;
	s5 =	sld [smem:$0x3FA9]  }
0x2b: {  	s6 =	sld [smem:$0x3FAA]  }
0x2c: {  	s7 =	sld [smem:$0x3FAB]  }
0x2d: {  	s3 =	simm.s32 $0x108;
	s8 =	sld [smem:$0x3FAC]  }
0x2e: {  	s3 =	simm.s32 @!p0 $0x1082;
	s9 =	sld [smem:$0x3FAD]  }
0x2f: {  	lr =	sadd.s32 s0, s3;
	s0 =	sld [smem:$0x3FA4]  }
0x30: {  	s3 =	sld [smem:$0x3FA7]  }
0x31: {  	[smem:$0x3FB0] =	sst s10  }
0x32: {  	s10 =	sld [smem:$0x3FAE];
	_ =	sdelay $0x3  }
0x33: {  	p0 =	seq.s32 s10, $0x1;
	s10 =	sld [smem:$0x3FB0];
	_ =	sdelay $0x3  }
0x34: {  	[smem:$0x3FB0] =	sst s10  }
0x35: {  	s10 =	sld [smem:$0x3FAF];
	_ =	sdelay $0x3  }
0x36: {  	p1 =	seq.s32 s10, $0x1;
	s10 =	sld [smem:$0x3FB0];
	_ =	sdelay $0x3  }
0x37: {  	[smem:$0x3FB0] =	sst s10  }
0x38: {  	s10 =	sld [smem:$0x3FB1]  }
0x39: {  	_ = 	snop;
	(pc) =	sbr.ind lr, $3  }
0x3a: {  	_ = 	snop  }
0x3b: {  	_ = 	snop  }
0x3c: {  	p2 =	seq.s32 s10, $0x1;
	s10 =	sld [smem:$0x3FB0]  }
0x3d: {  	_ =	shalt  }
0x3e: {  	_ =	shalt  }
0x3f: {  	_ =	shalt  }
0x40: {  	_ =	shalt  }
0x41: {  	_ =	shalt  }
0x42: {  	_ =	shalt  }
0x43: {  	_ =	shalt  }
0x44: {  	_ =	shalt  }
0x45: {  	_ =	shalt  }
0x46: {  	_ =	shalt  }
0x47: {  	_ =	shalt  }
0x48: {  	_ =	shalt  }
0x49: {  	_ =	shalt  }
0x4a: {  	_ =	shalt  }
0x4b: {  	_ =	shalt  }
0x4c: {  	_ =	shalt  }
0x4d: {  	_ =	shalt  }
0x4e: {  	_ =	shalt  }
0x4f: {  	_ =	shalt  }
0x50: {  	_ =	shalt  }
0x51: {  	_ =	shalt  }
0x52: {  	_ =	shalt  }
0x53: {  	_ =	shalt  }
0x54: {  	_ =	shalt  }
0x55: {  	_ =	shalt  }
0x56: {  	_ =	shalt  }
0x57: {  	_ =	shalt  }
0x58: {  	_ =	shalt  }
0x59: {  	_ =	shalt  }
0x5a: {  	_ =	shalt  }
0x5b: {  	_ =	shalt  }
0x5c: {  	_ =	shalt  }
0x5d: {  	_ =	shalt  }
0x5e: {  	_ =	shalt  }
0x5f: {  	_ =	shalt  }
0x60: {  	_ =	shalt  }
0x61: {  	_ =	shalt  }
0x62: {  	_ =	shalt  }
0x63: {  	_ =	shalt  }
0x64: {  	_ =	shalt  }
0x65: {  	_ =	shalt  }
0x66: {  	_ =	shalt  }
0x67: {  	_ =	shalt  }
0x68: {  	_ =	shalt  }
0x69: {  	_ =	shalt  }
0x6a: {  	_ =	shalt  }
0x6b: {  	_ =	shalt  }
0x6c: {  	_ =	shalt  }
0x6d: {  	_ =	shalt  }
0x6e: {  	_ =	shalt  }
0x6f: {  	_ =	shalt  }
0x70: {  	_ =	shalt  }
0x71: {  	_ =	shalt  }
0x72: {  	_ =	shalt  }
0x73: {  	_ =	shalt  }
0x74: {  	_ =	shalt  }
0x75: {  	_ =	shalt  }
0x76: {  	_ =	shalt  }
0x77: {  	_ =	shalt  }
0x78: {  	_ =	shalt  }
0x79: {  	_ =	shalt  }
0x7a: {  	_ =	shalt  }
0x7b: {  	_ =	shalt  }
0x7c: {  	_ =	shalt  }
0x7d: {  	_ =	shalt  }
0x7e: {  	_ =	shalt  }
0x7f: {  	_ =	shalt  }
0x80: {  	_ =	shalt  }
0x81: {  	_ =	shalt  }
0x82: {  	_ =	shalt  }
0x83: {  	_ =	shalt  }
0x84: {  	_ =	shalt  }
0x85: {  	_ =	shalt  }
0x86: {  	_ =	shalt  }
0x87: {  	_ =	shalt  }
.Lfunc_end0:
.L_simem_size_0:
called_computation_lowered:
.L_overlay_start_0:
0x88: {  	s2 =	sld [smem:$0x3FD9]  }
0x89: {  	s3 =	sld [smem:$0x3FFE];
	_ =	sdelay $0x1  }
0x8a: {  	s1 =	srdreg.scid  }
0x8b: {  	s0 =	sand.u32 $0x1, s1  }
0x8c: {  	s17 =	sshll.u32 s0, $0xA;
	s2 =	sadd.s32 s3, s2  }
0x8d: {  	s2 =	sadd.s32 s2, s17  }
0x8e: {  	[smem:$0x3FBC] =	sst s2  }
0x8f: {  	_ = 	snop  }
0x90: {  	s2 =	sld [smem:$0x3FC6]  }
0x91: {  	s18 =	sld [smem:$0x3FD0];
	(tm) =	ssettm $0x1  }
0x92: {  	s4 =	sld [smem:$0x3FFB];
	_ =	sdelay $0x3  }
0x93: {  	_ =	strace s4  }
0x94: {  	s4 =	sld [smem:$0x3FFC];
	_ =	sdelay $0x3  }
0x95: {  	_ =	strace s4  }
0x96: {  	s4 =	sld [smem:$0x3FFD];
	_ =	sdelay $0x3  }
0x97: {  	_ =	strace s4  }
0x98: {  	_ =	strace $0x8FFFFFFF  }
0x99: {  	s19 =	sld [smem:$0x3FDB];
	_ =	sdelay $0x1  }
0x9a: {  	s5 =	simm.s32 $_scs_section_size  }
0x9b: {  	s6 =	simm.s32 $_size__tile_overlayer_lowered;
	s7 =	simm.s32 $_tile_overlayer_lowered  }
0x9c: {  	s22 =	simm.s32 $0x1BFF;
	s21 =	sshll.u32 s7, $0x1;
	s4 =	sadd.s32 s5, s19  }
0x9d: {  	s8 =	simm.s32 $0x0;
	s20 =	sshll.u32 s6, $0x1;
	s6 =	sadd.s32 s21, s4  }
0x9e: {  	[timem:s8], [sflag:s22] =	dma.local [hbm:s6], s20  }
0x9f: {  	_ =	swait.ge [sflag:s22], s20  }
0xa0: {  	s5 =	ssub.s32 $0x0, s20;
	[sflag:s22] =	ssyncset.done $0x0  }
0xa1: {  	[sflag:s22] =	ssyncadd.s32 s5;
	_ =	sdelay $0x1  }
0xa2: {  	s23 =	simm.s32 $0x1B8B  }
0xa3: {  	_ =	swait.ge [sflag:s23], $0x1  }
0xa4: {  	[sflag:s23] =	ssyncset.done $0x0  }
0xa5: {  	s25 =	simm.s32 $0x1B8E;
	s24 =	sld [smem:$0x3FFE];
	[sflag:s23] =	ssyncadd.s32 $0xFFFFFFFF  }
0xa6: {  	s26 =	simm.s32 $execute0_lowered;
	[smem:$0x3FD2] =	sst s25  }
0xa7: {  	s6 =	sshll.u32 s26, $0x1;
	_ =	strace $0x80000046;
	[dreg:$0x1] =	wrdreg $0xFFFFFFFF  }
0xa8: {  	s28 =	simm.s32 $_size_execute0_lowered;
	s4 =	sadd.s32 s4, s6;
	[dreg:$0x0] =	wrdreg $0x0  }
0xa9: {  	s6 =	sshll.u32 s28, $0x1;
	[dreg:$0x2] =	wrdreg s4  }
0xaa: {  	[dreg:$0x3] =	wrdreg s6  }
0xab: {  	[dreg:$0x4] =	wrdreg $0xC0  }
0xac: {  	_ =	task [dreg:s8], $0x5FFFF  }
0xad: {  	[dreg:$0x1] =	wrdreg $0xFFFFFFFF  }
0xae: {  	[dreg:$0x0] =	wrdreg $0x60  }
0xaf: {  	[dreg:$0x2] =	wrdreg s2  }
0xb0: {  	[dreg:$0x3] =	wrdreg s18  }
0xb1: {  	[dreg:$0x4] =	wrdreg s24  }
0xb2: {  	[dreg:$0x5] =	wrdreg $0x9  }
0xb3: {  	_ =	task.clear_ibuf [dreg:s8], $0x6FFFF;
	_ =	strace $0x90000046  }
0xb4: {  	s29 =	simm.s32 $0x9;
	_ =	strace $0x80000048  }
0xb5: {  	_ =	swait.ge [sflag:s29], $0x1  }
0xb6: {  	[sflag:s29] =	ssyncadd.s32 $0xFFFFFFFF  }
0xb7: {  	_ =	strace $0x90000048  }
0xb8: {  	_ =	sfence  }
0xb9: {  	s30 =	sld [smem:$0x0];
	_ =	sdelay $0x2  }
0xba: {  	s31 =	sshll.u32 s1, $0xD;
	s1 =	sshrl.u32 s1, $0x2  }
0xbb: {  	s3 =	sand.u32 $0x4000, s31;
	s1 =	sadd.s32 s1, s30  }
0xbc: {  	s0 =	sor.u32 s3, s0;
	s1 =	sshll.u32 s1, $0x11  }
0xbd: {  	s0 =	sor.u32 s1, s0  }
0xbe: {  	s0 =	sadd.s32 $0x8F2B, s0  }
0xbf: {  	[sflag:s0] =	ssyncadd.remote.s32 $0x1  }
0xc0: {  	_ =	sfence.sel $0xFFFF  }
0xc1: {  	[dreg:$0x0] =	wrdreg $0xFFFFFFFF;
	(pc) =	sbr.abs _section_cstart, $3  }
0xc2: {  	[dreg:$0x1] =	wrdreg $0xFFFFFFFF  }
0xc3: {  	_ =	task.clear_ibuf [dreg:s8], $0x2FFFF;
	_ =	strace $0x9FFFFFFF  }
0xc4: {  	(tm) =	ssettm $0x7FFFFFFF  }
0xc5: {  	_ =	shalt  }
tec
execute0_lowered:
.L_overlay_start_1:
0x0: {  	(tag) =	ssettag $0x1  }
0x1: {  	s1 =	rddreg [dreg:$0x0]  }
0x2: {  	s2 =	srdreg.scid;
	s3 =	rddreg [dreg:$0x1]  }
0x3: {  	s0 =	stileid.u32;
	s14 =	rddreg [dreg:$0x2];
	s4 =	simm.s32 $0x0  }
0x4: {  	s16 =	simm.s32 $0x800;
	s17 =	simm.s32 $0x1000;
	s18 =	simm.s32 $0x1800  }
0x5: {  	s19 =	simm.s32 $0x2000;
	s20 =	simm.s32 $0x2800;
	s21 =	simm.s32 $0x1  }
0x6: {  	s23 =	simm.s32 $0x0;
	s5 =	sand.u32 $0x1, s2;
	s31 =	sshll.u32 s0, $0x1  }
0x7: {  	[smem:$0x7FF] =	sst s4;
	s22 =	sor.u32 s5, s31;
	s9 =	ssub.s32 $0x2, s5  }
0x8: {  	p0 =	slt.u32 s0, $0x2;
	s6 =	smul.u32 $0xF4, s22;
	s10 =	sshrl.u32 s9, $0x1  }
0x9: {  	_ =	strace $0x80000047;
	s7 =	smin.u32 s22, $0x4;
	s15 =	ssub.s32 s9, s10  }
0xa: {  	s5 =	sadd.s32 s7, s6;
	s6 =	sadd.s32 $0x1600, s14;
	s7 =	simm.s32 $0xF5  }
0xb: {  	s14 =	sadd.s32 $0x1E9A00, s14;
	s15 =	smax.u32 s15, $0x1;
	s8 =	sshll.u32 s5, $0x7  }
0xc: {  	v0 =	vlaneseq.u32;
	s7 =	simm.s32 @!p0 $0xF4;
	p0 =	sne.s32 s22, $0x1F;
	s8 =	sadd.s32 s1, s8  }
0xd: {  	v1 =	vand.u32 $0x7, v0;
	s22 =	simm.s32 $0x2;
	s9 =	sadd.s32 $0xF4280, s8;
	s10 =	sadd.s32 $0x80, s8  }
0xe: {  	v0 =	vmul.u32 $0x100, v0;
	v1 =	vmul.u32 $0x80, v1;
	s11 =	sadd.s32 $0xF4300, s8;
	s12 =	sadd.s32 $0x100, s8;
	s13 =	sadd.s32 $0xF4380, s8  }
.LBB2_1:
0xf: {  	[tilespmem:s4], [sflag:$0x1] =	stream.linear.gather [hbm4b:s8+s4], $0x400, $0x38;
	[tilespmem:$0x6000] =	vst v63  }
0x10: {  	_ = 	snop  }
0x11: {  	[tilespmem:s16], [sflag:$0x1] =	stream.linear.gather [hbm4b:s9+s4], $0x400, $0x38;
	[tilespmem:$0x6000] =	vst v63  }
0x12: {  	_ = 	snop  }
0x13: {  	[tilespmem:s17], [sflag:$0x1] =	stream.linear.gather [hbm4b:s10+s4], $0x400, $0x38;
	[tilespmem:$0x6000] =	vst v63  }
0x14: {  	_ = 	snop  }
0x15: {  	[tilespmem:s18], [sflag:$0x1] =	stream.linear.gather [hbm4b:s11+s4], $0x400, $0x38;
	[tilespmem:$0x6000] =	vst v63  }
0x16: {  	_ = 	snop  }
0x17: {  	[tilespmem:s19], [sflag:$0x1] =	stream.linear.gather [hbm4b:s12+s4], $0x400, $0x38;
	[tilespmem:$0x6000] =	vst v63  }
0x18: {  	s24 =	simm.s32 $0x0;
	s25 =	simm.s32 $0x0  }
0x19: {  	[tilespmem:s20], [sflag:$0x1] =	stream.linear.gather [hbm4b:s13+s4], $0x400, $0x38;
	[tilespmem:$0x6000] =	vst v63  }
.LBB2_2:
0x1a: {  	_ =	swait.ge [sflag:s21], $0x400;
	s28 =	sadd.s32 $0x3, s25;
	s26 =	sand.u32 $0x3, s25  }
0x1b: {  	[sflag:s21] =	ssyncset.done $0x0;
	p1 =	sge.u32 s28, s7;
	s29 =	sshll.u32 s26, $0x4  }
0x1c: {  	[sflag:s21] =	ssyncadd.s32 $0xFFFFFC00;
	s30 =	sadd.s32 @!p1 s5, s28;
	s28 =	sshll.u32 @!p1 s28, $0xC  }
0x1d: {  	s2 =	simm.s32 @!p1 $0x0;
	_ =	swait.ge [sflag:s21], $0x400;
	s30 =	sshll.u32 @!p1 s30, $0x7  }
0x1e: {  	v2 =	vmov s29;
	[sflag:s21] =	ssyncset.done $0x0;
	s31 =	sadd.s32 @!p1 s1, s30;
	s30 =	sand.u32 @!p1 $0x1FFFFF80, s30  }
0x1f: {  	s28 =	sand.u32 @!p1 $0x3000, s28;
	v2 =	vshll.u32 v2, $0x8;
	[sflag:s21] =	ssyncadd.s32 $0xFFFFFC00;
	s29 =	sadd.s32 @!p1 s1, s30  }
0x20: {  	v2 =	vor.u32 v0, v2;
	[tilespmem:s28], [sflag:$0x1] =	stream.linear.gather @!p1 [hbm4b:s31+s2], $0x400, $0x38;
	[tilespmem:$0x6000] =	vst v63  }
0x21: {  	s0 =	simm.s32 $0xF;
	v2 =	vand.u32 $0x3800, v2;
	s29 =	sadd.s32 @!p1 $0xF4280, s29;
	s28 =	sor.u32 @!p1 $0x800, s28  }
0x22: {  	v2 =	vor.u32 v1, v2;
	[tilespmem:s28], [sflag:$0x1] =	stream.linear.gather @!p1 [hbm4b:s29+s2], $0x400, $0x38;
	[tilespmem:$0x6000] =	vst v63  }
0x23: {  	v3 =	vor.u32 s0, v2;
	p1 =	slt.u32 s25, $0x4;
	s28 =	simm.s32 $0x1  }
0x24: {  	s2 =	simm.s32 @!p1 $0x2;
	v4 =	vor.u32 s28, v2;
	s28 =	simm.s32 $0x2  }
0x25: {  	_ =	swait.ge @!p1 [sflag:s2], $0x800;
	v5 =	vor.u32 s28, v2;
	s28 =	simm.s32 $0x3  }
0x26: {  	[sflag:s2] =	ssyncset.done @!p1 $0x0;
	v6 =	vor.u32 s28, v2;
	s28 =	simm.s32 $0x4  }
0x27: {  	s0 =	simm.s32 $0x5;
	[sflag:s2] =	ssyncadd.s32 @!p1 $0xFFFFF800;
	v7 =	vor.u32 s28, v2  }
0x28: {  	v8 =	vor.u32 s0, v2;
	s0 =	simm.s32 $0x6;
	v9 =	vld.idx.msk [tilespmem:v3+s4+$0x0], $0xffff  }
0x29: {  	v3 =	vor.u32 s0, v2;
	s0 =	simm.s32 $0x7;
	v10 =	vld.idx.msk [tilespmem:v4+s4+$0x0], $0xffff  }
0x2a: {  	v11 =	vld.idx.msk [tilespmem:v5+s4+$0x0], $0xffff;
	v5 =	vor.u32 s0, v2;
	s0 =	simm.s32 $0x8  }
0x2b: {  	s28 =	sand.u32 $0x3, s24;
	v12 =	vld.idx.msk [tilespmem:v6+s4+$0x0], $0xffff;
	v6 =	vor.u32 s0, v2;
	s0 =	simm.s32 $0x9  }
0x2c: {  	s28 =	sshll.u32 s28, $0xB;
	v14 =	vld.idx.msk [tilespmem:v7+s4+$0x0], $0xffff;
	v7 =	vor.u32 s0, v2;
	s0 =	simm.s32 $0xA  }
0x2d: {  	s28 =	sor.u32 $0x4080, s28;
	v4 =	vld.idx.msk [tilespmem:v8+s4+$0x0], $0xffff;
	v8 =	vor.u32 s0, v2;
	s0 =	simm.s32 $0xB  }
0x2e: {  	s2 =	simm.s32 $0xC;
	v3 =	vld.idx.msk [tilespmem:v3+s4+$0x0], $0xffff;
	[tilespmem:s28+$0x70] =	vst v9;
	v9 =	vor.u32 s0, v2  }
0x2f: {  	s29 =	simm.s32 $0xD;
	v13 =	vor.u32 s2, v2;
	[tilespmem:s28+$0xFFFFFF90] =	vst v10;
	v5 =	vld.idx.msk [tilespmem:v5+s4+$0x0], $0xffff  }
0x30: {  	s26 =	sshll.u32 s26, $0xB;
	s2 =	simm.s32 $0xE;
	[tilespmem:s28+$0xFFFFFFA0] =	vst v11;
	v11 =	vor.u32 s29, v2;
	v6 =	vld.idx.msk [tilespmem:v6+s4+$0x0], $0xffff  }
0x31: {  	s26 =	sor.u32 $0x4000, s26;
	s0 =	simm.s32 $0x0;
	[tilespmem:s28+$0xFFFFFFB0] =	vst v12;
	v12 =	vor.u32 s2, v2;
	v7 =	vld.idx.msk [tilespmem:v7+s4+$0x0], $0xffff  }
0x32: {  	s30 =	simm.s32 $0x20;
	s31 =	simm.s32 $0x1F;
	s29 =	simm.s32 $0x10;
	v10 =	vor.u32 s0, v2;
	[tilespmem:s28+$0xFFFFFFC0] =	vst v14;
	v8 =	vld.idx.msk [tilespmem:v8+s4+$0x0], $0xffff  }
.LBB2_3:
0x33: {  	p1 =	slt.u32 s30, $0x70;
	s0 =	sadd.s32 $0x1, s29;
	v14 =	vor.u32 s31, v2;
	[tilespmem:s28+$0xFFFFFFD0] =	vst v4;
	v4 =	vld.idx.msk [tilespmem:v9+s4+$0x0], $0xffff  }
0x34: {  	v9 =	vor.u32 s0, v2;
	s0 =	sadd.s32 $0x2, s29;
	[tilespmem:s28+$0xFFFFFFE0] =	vst v3;
	v3 =	vld.idx.msk [tilespmem:v13+s4+$0x0], $0xffff  }
0x35: {  	v13 =	vor.u32 s0, v2;
	s0 =	sadd.s32 $0x3, s29;
	[tilespmem:s28+$0xFFFFFFF0] =	vst v5;
	v5 =	vld.idx.msk [tilespmem:v11+s4+$0x0], $0xffff  }
0x36: {  	v11 =	vor.u32 s0, v2;
	s0 =	sadd.s32 $0x4, s29;
	[tilespmem:s28+$0x0] =	vst v6;
	v6 =	vld.idx.msk [tilespmem:v12+s4+$0x0], $0xffff  }
0x37: {  	v12 =	vor.u32 s0, v2;
	s0 =	sadd.s32 $0x5, s29;
	v10 =	vld.idx.msk [tilespmem:v10+s4+$0x0], $0xffff;
	[tilespmem:s28+$0x10] =	vst v7  }
0x38: {  	v7 =	vor.u32 s0, v2;
	s0 =	sadd.s32 $0x6, s29;
	v14 =	vld.idx.msk [tilespmem:v14+s4+$0x0], $0xffff;
	[tilespmem:s28+$0x20] =	vst v8  }
0x39: {  	v8 =	vld.idx.msk [tilespmem:v9+s4+$0x0], $0xffff;
	v9 =	vor.u32 s0, v2;
	s0 =	sadd.s32 $0x7, s29;
	[tilespmem:s28+$0x30] =	vst v4  }
0x3a: {  	v15 =	vld.idx.msk [tilespmem:v13+s4+$0x0], $0xffff;
	v13 =	vor.u32 s0, v2;
	s0 =	sadd.s32 $0x8, s29;
	[tilespmem:s28+$0x40] =	vst v3  }
0x3b: {  	v16 =	vld.idx.msk [tilespmem:v11+s4+$0x0], $0xffff;
	v11 =	vor.u32 s0, v2;
	s0 =	sadd.s32 $0x9, s29;
	[tilespmem:s28+$0x50] =	vst v5  }
0x3c: {  	v17 =	vld.idx.msk [tilespmem:v12+s4+$0x0], $0xffff;
	v12 =	vor.u32 s0, v2;
	s0 =	sadd.s32 $0xA, s29;
	[tilespmem:s28+$0x60] =	vst v6  }
0x3d: {  	v4 =	vld.idx.msk [tilespmem:v7+s4+$0x0], $0xffff;
	v18 =	vor.u32 s0, v2;
	s0 =	sadd.s32 $0xB, s29;
	[tilespmem:s28+$0xFFFFFF80] =	vst v10;
	s28 =	sadd.s32 $0x100, s28  }
.Ltmp0:
0x3e: {  	v3 =	vld.idx.msk [tilespmem:v9+s4+$0x0], $0xffff;
	v9 =	vor.u32 s0, v2;
	s0 =	sadd.s32 $0xC, s29;
	[tilespmem:s28+$0x70] =	vst v14;
	(pc) =	sbr.rel @p1 .LBB2_3-.Ltmp0, $4  }
0x3f: {  	[tilespmem:s28+$0xFFFFFF90] =	vst v8;
	v5 =	vld.idx.msk [tilespmem:v13+s4+$0x0], $0xffff;
	v13 =	vor.u32 s0, v2;
	s0 =	sadd.s32 $0xD, s29  }
0x40: {  	[tilespmem:s28+$0xFFFFFFA0] =	vst v15;
	v6 =	vld.idx.msk [tilespmem:v11+s4+$0x0], $0xffff;
	v11 =	vor.u32 s0, v2;
	s0 =	sadd.s32 $0xE, s29  }
0x41: {  	[tilespmem:s28+$0xFFFFFFB0] =	vst v16;
	v7 =	vld.idx.msk [tilespmem:v12+s4+$0x0], $0xffff;
	v12 =	vor.u32 s0, v2  }
0x42: {  	s31 =	sadd.s32 $0xF, s30;
	v10 =	vor.u32 s29, v2;
	s29 =	smov.u32 s30;
	s30 =	sadd.s32 $0x10, s30;
	[tilespmem:s28+$0xFFFFFFC0] =	vst v17;
	v8 =	vld.idx.msk [tilespmem:v18+s4+$0x0], $0xffff  }
0x43: {  	_ =	sdelay $0x2  }
0x44: {  	[tilespmem:s28+$0xFFFFFFD0] =	vst v4  }
0x45: {  	s0 =	sadd.s32 $0x1, s29;
	v43 =	vor.u32 s31, v2;
	v9 =	vld.idx.msk [tilespmem:v9+s4+$0x0], $0xffff;
	[tilespmem:s28+$0xFFFFFFE0] =	vst v3  }
0x46: {  	s2 =	sadd.s32 $0x2, s29;
	v13 =	vld.idx.msk [tilespmem:v13+s4+$0x0], $0xffff;
	v3 =	vor.u32 s0, v2;
	[tilespmem:s28+$0xFFFFFFF0] =	vst v5  }
0x47: {  	s30 =	sadd.s32 $0x3, s29;
	v11 =	vld.idx.msk [tilespmem:v11+s4+$0x0], $0xffff;
	v44 =	vor.u32 s2, v2;
	[tilespmem:s28+$0x0] =	vst v6  }
0x48: {  	s31 =	sadd.s32 $0x4, s29;
	v12 =	vld.idx.msk [tilespmem:v12+s4+$0x0], $0xffff;
	v45 =	vor.u32 s30, v2;
	[tilespmem:s28+$0x10] =	vst v7  }
0x49: {  	v10 =	vld.idx.msk [tilespmem:v10+s4+$0x0], $0xffff;
	v46 =	vor.u32 s31, v2;
	s2 =	sadd.s32 $0x5, s29;
	[tilespmem:s28+$0x20] =	vst v8  }
0x4a: {  	s30 =	sadd.s32 $0x6, s29;
	v47 =	vor.u32 s2, v2;
	v4 =	vld.idx.msk [tilespmem:v43+s4+$0x0], $0xffff;
	[tilespmem:s28+$0x30] =	vst v9  }
0x4b: {  	v48 =	vor.u32 s30, v2;
	s2 =	sadd.s32 $0x8, s29;
	[tilespmem:s28+$0x40] =	vst v13;
	v3 =	vld.idx.msk [tilespmem:v3+s4+$0x0], $0xffff  }
0x4c: {  	s31 =	sadd.s32 $0x7, s29;
	s30 =	sadd.s32 $0x9, s29;
	v50 =	vor.u32 s2, v2;
	[tilespmem:s28+$0x50] =	vst v11;
	v5 =	vld.idx.msk [tilespmem:v44+s4+$0x0], $0xffff  }
0x4d: {  	v49 =	vor.u32 s31, v2;
	s31 =	sadd.s32 $0xA, s29;
	v51 =	vor.u32 s30, v2;
	[tilespmem:s28+$0x60] =	vst v12;
	v6 =	vld.idx.msk [tilespmem:v45+s4+$0x0], $0xffff  }
0x4e: {  	s2 =	sadd.s32 $0x100, s28;
	v52 =	vor.u32 s31, v2;
	[tilespmem:s28+$0xFFFFFF80] =	vst v10;
	v7 =	vld.idx.msk [tilespmem:v46+s4+$0x0], $0xffff  }
0x4f: {  	s30 =	sadd.s32 $0xB, s29;
	v8 =	vld.idx.msk [tilespmem:v47+s4+$0x0], $0xffff;
	[tilespmem:s2+$0x70] =	vst v4  }
0x50: {  	s31 =	sadd.s32 $0xC, s29;
	v54 =	vor.u32 s30, v2;
	v53 =	vld.idx.msk [tilespmem:v48+s4+$0x0], $0xffff;
	[tilespmem:s2+$0xFFFFFF90] =	vst v3  }
0x51: {  	v55 =	vor.u32 s31, v2;
	s30 =	sadd.s32 $0xE, s29;
	v56 =	vld.idx.msk [tilespmem:v50+s4+$0x0], $0xffff;
	[tilespmem:s2+$0xFFFFFFA0] =	vst v5  }
0x52: {  	s28 =	sadd.s32 $0xD, s29;
	v59 =	vor.u32 s30, v2;
	v58 =	vld.idx.msk [tilespmem:v51+s4+$0x0], $0xffff;
	[tilespmem:s2+$0xFFFFFFB0] =	vst v6  }
0x53: {  	v57 =	vor.u32 s28, v2;
	v2 =	vor.u32 s29, v2;
	v60 =	vld.idx.msk [tilespmem:v52+s4+$0x0], $0xffff;
	[tilespmem:s2+$0xFFFFFFC0] =	vst v7  }
0x54: {  	v3 =	vld.idx.msk [tilespmem:v49+s4+$0x0], $0xffff;
	[tilespmem:s2+$0xFFFFFFD0] =	vst v8  }
0x55: {  	v61 =	vld.idx.msk [tilespmem:v54+s4+$0x0], $0xffff;
	[tilespmem:s2+$0xFFFFFFE0] =	vst v53  }
0x56: {  	v62 =	vld.idx.msk [tilespmem:v55+s4+$0x0], $0xffff;
	[tilespmem:s2+$0x0] =	vst v56  }
0x57: {  	v63 =	vld.idx.msk [tilespmem:v59+s4+$0x0], $0xffff;
	[tilespmem:s2+$0x10] =	vst v58  }
0x58: {  	v2 =	vld.idx.msk [tilespmem:v2+s4+$0x0], $0xffff;
	[tilespmem:s2+$0x20] =	vst v60  }
0x59: {  	s31 =	sadd.s32 s5, s25;
	s25 =	sadd.s32 $0x1, s25;
	[tilespmem:s2+$0xFFFFFFF0] =	vst v3;
	v3 =	vld.idx.msk [tilespmem:v57+s4+$0x0], $0xffff  }
0x5a: {  	p1 =	sne.s32 s25, s7;
	[tilespmem:s2+$0x30] =	vst v61  }
.Ltmp1:
0x5b: {  	[tilespmem:s2+$0x40] =	vst v62;
	(pc) =	sbr.rel @p1 .LBB2_2-.Ltmp1, $4  }
0x5c: {  	s0 =	sshll.u32 s31, $0x8;
	[tilespmem:s2+$0x60] =	vst v63  }
0x5d: {  	s0 =	sand.u32 $0x1FFFFF00, s0;
	[tilespmem:s2+$0xFFFFFF80] =	vst v2  }
0x5e: {  	s24 =	sadd.s32 $0x1, s24;
	s0 =	sadd.s32 s6, s0;
	[tilespmem:s2+$0x50] =	vst v3  }
0x5f: {  	[hbm4b:s0+s4] =	stream.linear.scatter [tilespmem:s26], [sflag:$0x2], $0x800, $0x38;
	[tilespmem:$0x6000] =	vst v63  }
0x60: {  	_ =	swait.ge [sflag:s22], $0x800  }
0x61: {  	[sflag:s22] =	ssyncset.done $0x0  }
0x62: {  	[sflag:s22] =	ssyncadd.s32 $0xFFFFF800  }
0x63: {  	_ =	swait.ge [sflag:s22], $0x800  }
0x64: {  	[sflag:s22] =	ssyncset.done $0x0  }
0x65: {  	[sflag:s22] =	ssyncadd.s32 $0xFFFFF800  }
0x66: {  	_ =	swait.ge [sflag:s22], $0x800  }
0x67: {  	[sflag:s22] =	ssyncset.done $0x0  }
0x68: {  	[sflag:s22] =	ssyncadd.s32 $0xFFFFF800  }
0x69: {  	_ =	swait.ge [sflag:s22], $0x800  }
0x6a: {  	s0 =	simm.s32 @!p0 $0x0;
	[sflag:s22] =	ssyncset.done $0x0  }
0x6b: {  	s2 =	simm.s32 @!p0 $0x4000;
	s24 =	simm.s32 @!p0 $0x3;
	[sflag:s22] =	ssyncadd.s32 $0xFFFFF800  }
0x6c: {  	[tilespmem:s2], [sflag:$0x3] =	stream.linear.gather @!p0 [hbm4b:s3+s0], $0x4C0, $0x38;
	[tilespmem:$0x6000] =	vst v63  }
0x6d: {  	s23 =	sadd.s32 $0x1, s23;
	_ =	swait.ge @!p0 [sflag:s24], $0x4C0  }
0x6e: {  	p1 =	sne.s32 s23, s15;
	[sflag:s24] =	ssyncset.done @!p0 $0x0  }
.Ltmp2:
0x6f: {  	[sflag:s24] =	ssyncadd.s32 @!p0 $0xFFFFFB40;
	(pc) =	sbr.rel @p1 .LBB2_1-.Ltmp2, $4  }
0x70: {  	[hbm4b:s14+s0] =	stream.linear.scatter @!p0 [tilespmem:s2], [sflag:$0x3], $0x4C0, $0x38;
	[tilespmem:$0x6000] =	vst v63  }
0x71: {  	_ =	swait.ge @!p0 [sflag:s24], $0x4C0  }
0x72: {  	[sflag:s24] =	ssyncset.done @!p0 $0x0  }
0x73: {  	[sflag:s24] =	ssyncadd.s32 @!p0 $0xFFFFFB40  }
0x74: {  	_ =	sfence.sel $0x180000  }
0x75: {  	[bflag:$0x0] =	sbarrier.arrive $0xFFFF  }
0x76: {  	_ =	strace $0x90000047  }
0x77: {  	s0 =	stileid.u32;
	[bflag:$0x2] =	sbarrier.arrive $0xFFFF  }
0x78: {  	p0 =	sne.s32 s0, $0x0;
	s0 =	rddreg [dreg:$0x3]  }
0x79: {  	s0 =	sadd.s32 @!p0 $0x100000, s0  }
0x7a: {  	[sflag:s0] =	ssyncadd.tile.s32 @!p0 $0x1;
	_ =	shalt  }
.Lfunc_end2:
_tile_overlayer_lowered:
.L_overlay_start_2:
0x7b: {  	(tag) =	ssettag $0x2  }
0x7c: {  	s0 =	rddreg [dreg:$0x0];
	s2 =	stileid.u32  }
0x7d: {  	s1 =	rddreg [dreg:$0x1];
	p0 =	sne.s32 s2, $0x0  }
0x7e: {  	s3 =	rddreg [dreg:$0x2];
	[bflag:$0x3] =	sbarrier.arrive $0xFFFF;
	s2 =	simm.s32 @!p0 $0x1C03  }
0x7f: {  	[timem:s3], [sflag:s2] =	dma.local @!p0 [hbm:s0], s1  }
0x80: {  	s0 =	simm.s32 @!p0 $0x3  }
0x81: {  	_ =	swait.ge @!p0 [sflag:s0], s1  }
0x82: {  	s1 =	ssub.s32 @!p0 $0x0, s1;
	[sflag:s0] =	ssyncset.done @!p0 $0x0  }
0x83: {  	[sflag:s0] =	ssyncadd.s32 @!p0 s1  }
0x84: {  	[bflag:$0x3] =	sbarrier.arrive $0xFFFF  }
0x85: {  	_ =	shalt  }

// kernel: kernel.8.cloned.1.call-start
scs
__scs_entry_jumppad:
0x0: {  	(pc) =	sbr.rel $0x88, $3  }
0x1: {  	(tag) =	ssettag $0x0;
	lr =	simm.s32 $0x1  }
0x2: {  	[smem:$0x3F95] =	sst lr;
	_ =	strace $0xD0000000  }
0x3: {  	_ = 	snop  }
0x4: {  	_ = 	snop  }
0x5: {  	_ = 	snop  }
0x6: {  	_ = 	snop  }
0x7: {  	_ = 	snop  }
__scs_overlays_trampoline_lowered:
0x8: {  	[smem:$0x3FA4] =	sst s0  }
0x9: {  	[smem:$0x3FA5] =	sst s1  }
0xa: {  	[smem:$0x3FA6] =	sst s2  }
0xb: {  	[smem:$0x3FA7] =	sst s3  }
0xc: {  	[smem:$0x3FA8] =	sst s4  }
0xd: {  	[smem:$0x3FA9] =	sst s5  }
0xe: {  	[smem:$0x3FAA] =	sst s6  }
0xf: {  	[smem:$0x3FAB] =	sst s7  }
0x10: {  	[smem:$0x3FAC] =	sst s8  }
0x11: {  	[smem:$0x3FAD] =	sst s9;
	s0 =	simm.s32 @!p0 $0x0  }
0x12: {  	s1 =	sld [smem:$0x3F93];
	s0 =	simm.s32 @p0 $0x1  }
0x13: {  	[smem:$0x3FAE] =	sst s0;
	s0 =	simm.s32 @!p1 $0x0  }
0x14: {  	s2 =	sld [smem:$0x3F92];
	s0 =	simm.s32 @p1 $0x1  }
0x15: {  	[smem:$0x3FAF] =	sst s0;
	s0 =	simm.s32 @!p2 $0x0  }
0x16: {  	s3 =	sld [smem:$0x3FDB];
	s0 =	simm.s32 @p2 $0x1  }
0x17: {  	s4 =	simm.s32 $0x1BF5;
	[smem:$0x3FB1] =	sst s0  }
0x18: {  	s0 =	sld [smem:$0x3F94];
	_ =	swait.ge [sflag:s4], $0x0  }
0x19: {  	s7 =	sld [smem:$0x3F95]  }
0x1a: {  	s8 =	sadd.s32 $0xFFFFE003, lr  }
0x1b: {  	s9 =	sadd.s32 $0xFFFFFEF7, lr;
	s5 =	simm.s32 $0xFFFFFFFF;
	p2 =	slt.u32 s8, $0xFFFFF086  }
0x1c: {  	p1 =	slt.u32 s9, $0xF7A;
	s5 =	simm.s32 @!p2 $0x0  }
0x1d: {  	s5 =	simm.s32 @p1 $0x1;
	p0 =	seq.s32 s7, s2  }
0x1e: {  	s7 =	smul.u32 @!p0 $0xF7A, s2;
	p2 =	seq.s32 @!p0 s5, $0x0  }
0x1f: {  	s9 =	smul.u32 $0xF7A, s1;
	s8 =	simm.s32 @!p0 $0x1BF5;
	p2 =	por !p2, p0  }
0x20: {  	[sflag:s8] =	ssyncset.s32 @!p0 $0xFFFFF086;
	s6 =	sadd.s32 @!p0 s3, s7;
	s7 =	simm.s32 @!p0 $0x108  }
0x21: {  	s3 =	sadd.s32 s3, s9;
	s6 =	sadd.s32 @!p0 $0x88, s6;
	s7 =	simm.s32 @p2 $0x1082  }
0x22: {  	[simem:s7], [sflag:s8] =	dma.local @!p0 [hbm:s6], $0xF7A  }
0x23: {  	s9 =	sor.u32 $0xD0000000, s2;
	s6 =	simm.s32 $0x108;
	_ =	swait.ge @!p0 [sflag:s8], $0x0  }
0x24: {  	s3 =	sadd.s32 $0x88, s3;
	s6 =	simm.s32 @!p1 $0x1082;
	[sflag:s4] =	ssyncset.s32 $0xFFFFF086  }
0x25: {  	[simem:s6], [sflag:s4] =	dma.local [hbm:s3], $0xF7A  }
0x26: {  	[smem:$0x3F95] =	sst s1;
	(tag) =	ssettag s2;
	_ =	strace s9  }
0x27: {  	s1 =	sld [smem:$0x3FA5]  }
0x28: {  	s2 =	sld [smem:$0x3FA6]  }
0x29: {  	s4 =	sld [smem:$0x3FA8]  }
0x2a: {  	p0 =	seq.s32 s5, $0x0;
	s5 =	sld [smem:$0x3FA9]  }
0x2b: {  	s6 =	sld [smem:$0x3FAA]  }
0x2c: {  	s7 =	sld [smem:$0x3FAB]  }
0x2d: {  	s3 =	simm.s32 $0x108;
	s8 =	sld [smem:$0x3FAC]  }
0x2e: {  	s3 =	simm.s32 @!p0 $0x1082;
	s9 =	sld [smem:$0x3FAD]  }
0x2f: {  	lr =	sadd.s32 s0, s3;
	s0 =	sld [smem:$0x3FA4]  }
0x30: {  	s3 =	sld [smem:$0x3FA7]  }
0x31: {  	[smem:$0x3FB0] =	sst s10  }
0x32: {  	s10 =	sld [smem:$0x3FAE];
	_ =	sdelay $0x3  }
0x33: {  	p0 =	seq.s32 s10, $0x1;
	s10 =	sld [smem:$0x3FB0];
	_ =	sdelay $0x3  }
0x34: {  	[smem:$0x3FB0] =	sst s10  }
0x35: {  	s10 =	sld [smem:$0x3FAF];
	_ =	sdelay $0x3  }
0x36: {  	p1 =	seq.s32 s10, $0x1;
	s10 =	sld [smem:$0x3FB0];
	_ =	sdelay $0x3  }
0x37: {  	[smem:$0x3FB0] =	sst s10  }
0x38: {  	s10 =	sld [smem:$0x3FB1]  }
0x39: {  	_ = 	snop;
	(pc) =	sbr.ind lr, $3  }
0x3a: {  	_ = 	snop  }
0x3b: {  	_ = 	snop  }
0x3c: {  	p2 =	seq.s32 s10, $0x1;
	s10 =	sld [smem:$0x3FB0]  }
0x3d: {  	_ =	shalt  }
0x3e: {  	_ =	shalt  }
0x3f: {  	_ =	shalt  }
0x40: {  	_ =	shalt  }
0x41: {  	_ =	shalt  }
0x42: {  	_ =	shalt  }
0x43: {  	_ =	shalt  }
0x44: {  	_ =	shalt  }
0x45: {  	_ =	shalt  }
0x46: {  	_ =	shalt  }
0x47: {  	_ =	shalt  }
0x48: {  	_ =	shalt  }
0x49: {  	_ =	shalt  }
0x4a: {  	_ =	shalt  }
0x4b: {  	_ =	shalt  }
0x4c: {  	_ =	shalt  }
0x4d: {  	_ =	shalt  }
0x4e: {  	_ =	shalt  }
0x4f: {  	_ =	shalt  }
0x50: {  	_ =	shalt  }
0x51: {  	_ =	shalt  }
0x52: {  	_ =	shalt  }
0x53: {  	_ =	shalt  }
0x54: {  	_ =	shalt  }
0x55: {  	_ =	shalt  }
0x56: {  	_ =	shalt  }
0x57: {  	_ =	shalt  }
0x58: {  	_ =	shalt  }
0x59: {  	_ =	shalt  }
0x5a: {  	_ =	shalt  }
0x5b: {  	_ =	shalt  }
0x5c: {  	_ =	shalt  }
0x5d: {  	_ =	shalt  }
0x5e: {  	_ =	shalt  }
0x5f: {  	_ =	shalt  }
0x60: {  	_ =	shalt  }
0x61: {  	_ =	shalt  }
0x62: {  	_ =	shalt  }
0x63: {  	_ =	shalt  }
0x64: {  	_ =	shalt  }
0x65: {  	_ =	shalt  }
0x66: {  	_ =	shalt  }
0x67: {  	_ =	shalt  }
0x68: {  	_ =	shalt  }
0x69: {  	_ =	shalt  }
0x6a: {  	_ =	shalt  }
0x6b: {  	_ =	shalt  }
0x6c: {  	_ =	shalt  }
0x6d: {  	_ =	shalt  }
0x6e: {  	_ =	shalt  }
0x6f: {  	_ =	shalt  }
0x70: {  	_ =	shalt  }
0x71: {  	_ =	shalt  }
0x72: {  	_ =	shalt  }
0x73: {  	_ =	shalt  }
0x74: {  	_ =	shalt  }
0x75: {  	_ =	shalt  }
0x76: {  	_ =	shalt  }
0x77: {  	_ =	shalt  }
0x78: {  	_ =	shalt  }
0x79: {  	_ =	shalt  }
0x7a: {  	_ =	shalt  }
0x7b: {  	_ =	shalt  }
0x7c: {  	_ =	shalt  }
0x7d: {  	_ =	shalt  }
0x7e: {  	_ =	shalt  }
0x7f: {  	_ =	shalt  }
0x80: {  	_ =	shalt  }
0x81: {  	_ =	shalt  }
0x82: {  	_ =	shalt  }
0x83: {  	_ =	shalt  }
0x84: {  	_ =	shalt  }
0x85: {  	_ =	shalt  }
0x86: {  	_ =	shalt  }
0x87: {  	_ =	shalt  }
.Lfunc_end0:
.L_simem_size_0:
called_computation.1_lowered:
.L_overlay_start_0:
0x88: {  	s2 =	sld [smem:$0x3FD9]  }
0x89: {  	s3 =	sld [smem:$0x3FFE];
	_ =	sdelay $0x1  }
0x8a: {  	s1 =	srdreg.scid  }
0x8b: {  	s0 =	sand.u32 $0x1, s1  }
0x8c: {  	s16 =	sshll.u32 s0, $0xA;
	s2 =	sadd.s32 s3, s2  }
0x8d: {  	s2 =	sadd.s32 s2, s16  }
0x8e: {  	[smem:$0x3FBC] =	sst s2  }
0x8f: {  	_ = 	snop  }
0x90: {  	(tm) =	ssettm $0x1  }
0x91: {  	s17 =	sld [smem:$0x3FFB];
	_ =	sdelay $0x3  }
0x92: {  	_ =	strace s17  }
0x93: {  	s2 =	sld [smem:$0x3FFC];
	_ =	sdelay $0x3  }
0x94: {  	_ =	strace s2  }
0x95: {  	s2 =	sld [smem:$0x3FFD];
	_ =	sdelay $0x3  }
0x96: {  	_ =	strace s2  }
0x97: {  	_ =	strace $0x8FFFFFFF  }
0x98: {  	s18 =	sld [smem:$0x3FDB];
	_ =	sdelay $0x1  }
0x99: {  	s19 =	simm.s32 $_scs_section_size  }
0x9a: {  	s4 =	simm.s32 $_size__tile_overlayer_lowered;
	s5 =	simm.s32 $_tile_overlayer_lowered  }
0x9b: {  	s22 =	simm.s32 $0x1BFF;
	s21 =	sshll.u32 s5, $0x1;
	s2 =	sadd.s32 s19, s18  }
0x9c: {  	s6 =	simm.s32 $0x0;
	s20 =	sshll.u32 s4, $0x1;
	s4 =	sadd.s32 s21, s2  }
0x9d: {  	[timem:s6], [sflag:s22] =	dma.local [hbm:s4], s20  }
0x9e: {  	_ =	swait.ge [sflag:s22], s20  }
0x9f: {  	s3 =	ssub.s32 $0x0, s20;
	[sflag:s22] =	ssyncset.done $0x0  }
0xa0: {  	[sflag:s22] =	ssyncadd.s32 s3;
	_ =	sdelay $0x1  }
0xa1: {  	s23 =	simm.s32 $0x1B8B  }
0xa2: {  	_ =	swait.ge [sflag:s23], $0x1  }
0xa3: {  	[sflag:s23] =	ssyncset.done $0x0  }
0xa4: {  	s25 =	simm.s32 $0x1B8E;
	s24 =	sld [smem:$0x3FFE];
	[sflag:s23] =	ssyncadd.s32 $0xFFFFFFFF  }
0xa5: {  	s26 =	simm.s32 $execute0_lowered;
	[smem:$0x3FD2] =	sst s25  }
0xa6: {  	s4 =	sshll.u32 s26, $0x1;
	_ =	strace $0x80000049;
	[dreg:$0x1] =	wrdreg $0xFFFFFFFF  }
0xa7: {  	s28 =	simm.s32 $_size_execute0_lowered;
	s2 =	sadd.s32 s2, s4;
	[dreg:$0x0] =	wrdreg $0x0  }
0xa8: {  	s4 =	sshll.u32 s28, $0x1;
	[dreg:$0x2] =	wrdreg s2  }
0xa9: {  	[dreg:$0x3] =	wrdreg s4  }
0xaa: {  	[dreg:$0x4] =	wrdreg $0xC0  }
0xab: {  	_ =	task [dreg:s6], $0x5FFFF  }
0xac: {  	[dreg:$0x1] =	wrdreg $0xFFFFFFFF  }
0xad: {  	[dreg:$0x0] =	wrdreg $0x60  }
0xae: {  	[dreg:$0x2] =	wrdreg s24  }
0xaf: {  	[dreg:$0x3] =	wrdreg $0x9  }
0xb0: {  	_ =	task.clear_ibuf [dreg:s6], $0x4FFFF;
	_ =	strace $0x90000049  }
0xb1: {  	s29 =	simm.s32 $0x9;
	_ =	strace $0x8000004B  }
0xb2: {  	_ =	swait.ge [sflag:s29], $0x1  }
0xb3: {  	[sflag:s29] =	ssyncadd.s32 $0xFFFFFFFF  }
0xb4: {  	_ =	strace $0x9000004B  }
0xb5: {  	_ =	sfence  }
0xb6: {  	s30 =	sld [smem:$0x0];
	_ =	sdelay $0x2  }
0xb7: {  	s31 =	sshll.u32 s1, $0xD;
	s1 =	sshrl.u32 s1, $0x2  }
0xb8: {  	s3 =	sand.u32 $0x4000, s31;
	s1 =	sadd.s32 s1, s30  }
0xb9: {  	s0 =	sor.u32 s3, s0;
	s1 =	sshll.u32 s1, $0x11  }
0xba: {  	s0 =	sor.u32 s1, s0  }
0xbb: {  	s0 =	sadd.s32 $0x8F2B, s0  }
0xbc: {  	[sflag:s0] =	ssyncadd.remote.s32 $0x1  }
0xbd: {  	_ =	sfence.sel $0xFFFF  }
0xbe: {  	[dreg:$0x0] =	wrdreg $0xFFFFFFFF;
	(pc) =	sbr.abs _section_cstart, $3  }
0xbf: {  	[dreg:$0x1] =	wrdreg $0xFFFFFFFF  }
0xc0: {  	_ =	task.clear_ibuf [dreg:s6], $0x2FFFF;
	_ =	strace $0x9FFFFFFF  }
0xc1: {  	(tm) =	ssettm $0x7FFFFFFF  }
tec
execute0_lowered:
.L_overlay_start_1:
0x0: {  	(tag) =	ssettag $0x1  }
0x1: {  	s0 =	srdreg.scid  }
0x2: {  	s8 =	stileid.u32;
	s5 =	rddreg [dreg:$0x0]  }
0x3: {  	s2 =	simm.s32 $0x0;
	s15 =	simm.s32 $0x100;
	s18 =	simm.s32 $0x180  }
0x4: {  	s21 =	simm.s32 $0x200;
	s24 =	simm.s32 $0x280;
	s28 =	simm.s32 $0x300  }
0x5: {  	s31 =	simm.s32 $0x380;
	s11 =	simm.s32 $0x1;
	s12 =	simm.s32 $0x2  }
0x6: {  	s13 =	simm.s32 $0x3;
	s14 =	simm.s32 $0x0;
	s6 =	smul.u32 $0x6800, s8  }
0x7: {  	s0 =	sand.u32 $0x1, s0;
	s1 =	sshll.u32 s8, $0x1;
	s8 =	smul.u32 $0xD000, s8  }
0x8: {  	[smem:$0x7FF] =	sst s2;
	s4 =	sadd.s32 $0x1F6C00, s5;
	s7 =	smul.u32 $0x3400, s0  }
0x9: {  	s1 =	sor.u32 s0, s1;
	s29 =	ssub.s32 $0x2, s0;
	s0 =	smul.u32 $0x6800, s0  }
0xa: {  	s3 =	sadd.s32 $0x1600, s5;
	_ =	strace $0x8000004A;
	s1 =	smul.u32 $0x680, s1  }
0xb: {  	s9 =	sshrl.u32 s29, $0x1;
	s8 =	sadd.s32 s8, s5;
	s6 =	sadd.s32 s7, s6  }
0xc: {  	s30 =	ssub.s32 s29, s9;
	s0 =	sadd.s32 s0, s8;
	s9 =	simm.s32 $0x4  }
0xd: {  	s1 =	sadd.s32 s1, s5;
	s6 =	sshrl.u32 s6, $0x3;
	s17 =	sadd.s32 $0x215600, s0  }
0xe: {  	s0 =	simm.s32 $0xB780;
	s10 =	sadd.s32 s6, s5;
	s5 =	sadd.s32 $0x1E9C00, s1  }
0xf: {  	s6 =	smax.u32 s30, $0x1;
	s19 =	sadd.s32 $0x2E5600, s10;
	s10 =	simm.s32 $0x80  }
.LBB2_1:
0x10: {  	[tilespmem:s2], [sflag:$0x4] =	stream.linear.gather [hbm4b:s5+s2], $0x3400, $0x38;
	[tilespmem:$0xBC00] =	vst v63  }
0x11: {  	_ =	swait.ge [sflag:s9], $0x3400  }
0x12: {  	[sflag:s9] =	ssyncset.done $0x0  }
0x13: {  	s1 =	simm.s32 $0x3400;
	[sflag:s9] =	ssyncadd.s32 $0xFFFFCC00  }
0x14: {  	[tilespmem:s1], [sflag:$0x1] =	stream.indirect.gather [hbm4b:s3+s10], $0x10, s2, s10, $0xb8;
	[tilespmem:$0xBC00] =	vst v63  }
0x15: {  	s25 =	simm.s32 $0xB400  }
0x16: {  	[tilespmem:s25], [sflag:$0x2] =	stream.indirect.gather [hbm4b:s4+s10], $0x1, s2, s10, $0xb8;
	[tilespmem:$0xBC00] =	vst v63  }
0x17: {  	s26 =	simm.s32 $0x3C00  }
0x18: {  	[tilespmem:s26], [sflag:$0x1] =	stream.indirect.gather [hbm4b:s3+s10], $0x10, s10, s10, $0xb8;
	[tilespmem:$0xBC00] =	vst v63  }
0x19: {  	s29 =	simm.s32 $0xB480  }
0x1a: {  	[tilespmem:s29], [sflag:$0x2] =	stream.indirect.gather [hbm4b:s4+s10], $0x1, s10, s10, $0xb8;
	[tilespmem:$0xBC00] =	vst v63  }
0x1b: {  	s30 =	simm.s32 $0x4400  }
0x1c: {  	[tilespmem:s30], [sflag:$0x1] =	stream.indirect.gather [hbm4b:s3+s10], $0x10, s15, s10, $0xb8;
	[tilespmem:$0xBC00] =	vst v63  }
0x1d: {  	s7 =	simm.s32 $0xB500  }
0x1e: {  	[tilespmem:s7], [sflag:$0x2] =	stream.indirect.gather [hbm4b:s4+s10], $0x1, s15, s10, $0xb8;
	[tilespmem:$0xBC00] =	vst v63  }
0x1f: {  	s8 =	simm.s32 $0x4C00  }
0x20: {  	[tilespmem:s8], [sflag:$0x1] =	stream.indirect.gather [hbm4b:s3+s10], $0x10, s18, s10, $0xb8;
	[tilespmem:$0xBC00] =	vst v63  }
0x21: {  	s16 =	simm.s32 $0xB580  }
0x22: {  	[tilespmem:s16], [sflag:$0x2] =	stream.indirect.gather [hbm4b:s4+s10], $0x1, s18, s10, $0xb8;
	[tilespmem:$0xBC00] =	vst v63  }
0x23: {  	s20 =	simm.s32 $0x5400  }
0x24: {  	[tilespmem:s20], [sflag:$0x1] =	stream.indirect.gather [hbm4b:s3+s10], $0x10, s21, s10, $0xb8;
	[tilespmem:$0xBC00] =	vst v63  }
0x25: {  	s22 =	simm.s32 $0xB600  }
0x26: {  	[tilespmem:s22], [sflag:$0x2] =	stream.indirect.gather [hbm4b:s4+s10], $0x1, s21, s10, $0xb8;
	[tilespmem:$0xBC00] =	vst v63  }
0x27: {  	s23 =	simm.s32 $0x5C00  }
0x28: {  	[tilespmem:s23], [sflag:$0x1] =	stream.indirect.gather [hbm4b:s3+s10], $0x10, s24, s10, $0xb8;
	[tilespmem:$0xBC00] =	vst v63  }
0x29: {  	s25 =	simm.s32 $0xB680  }
0x2a: {  	[tilespmem:s25], [sflag:$0x2] =	stream.indirect.gather [hbm4b:s4+s10], $0x1, s24, s10, $0xb8;
	[tilespmem:$0xBC00] =	vst v63  }
0x2b: {  	s26 =	simm.s32 $0x6400  }
0x2c: {  	[tilespmem:s26], [sflag:$0x1] =	stream.indirect.gather [hbm4b:s3+s10], $0x10, s28, s10, $0xb8;
	[tilespmem:$0xBC00] =	vst v63  }
0x2d: {  	s29 =	simm.s32 $0xB700  }
0x2e: {  	[tilespmem:s29], [sflag:$0x2] =	stream.indirect.gather [hbm4b:s4+s10], $0x1, s28, s10, $0xb8;
	[tilespmem:$0xBC00] =	vst v63  }
0x2f: {  	s30 =	simm.s32 $0x6C00;
	s7 =	smov.u32 s19  }
0x30: {  	[tilespmem:s30], [sflag:$0x1] =	stream.indirect.gather [hbm4b:s3+s10], $0x10, s31, s10, $0xb8;
	[tilespmem:$0xBC00] =	vst v63  }
0x31: {  	s8 =	smov.u32 s17;
	s16 =	simm.s32 $0x0;
	s20 =	simm.s32 $0x0  }
0x32: {  	[tilespmem:s0], [sflag:$0x2] =	stream.indirect.gather [hbm4b:s4+s10], $0x1, s31, s10, $0xb8;
	[tilespmem:$0xBC00] =	vst v63  }
.LBB2_2:
0x33: {  	_ =	swait.ge [sflag:s11], $0x800  }
0x34: {  	[sflag:s11] =	ssyncset.done $0x0  }
0x35: {  	[sflag:s11] =	ssyncadd.s32 $0xFFFFF800  }
0x36: {  	_ =	swait.ge [sflag:s12], $0x80  }
0x37: {  	[sflag:s12] =	ssyncset.done $0x0  }
0x38: {  	[sflag:s12] =	ssyncadd.s32 $0xFFFFFF80  }
0x39: {  	_ =	swait.ge [sflag:s11], $0x800  }
0x3a: {  	[sflag:s11] =	ssyncset.done $0x0  }
0x3b: {  	[sflag:s11] =	ssyncadd.s32 $0xFFFFF800  }
0x3c: {  	_ =	swait.ge [sflag:s12], $0x80  }
0x3d: {  	[sflag:s12] =	ssyncset.done $0x0  }
0x3e: {  	[sflag:s12] =	ssyncadd.s32 $0xFFFFFF80  }
0x3f: {  	_ =	swait.ge [sflag:s11], $0x800  }
0x40: {  	[sflag:s11] =	ssyncset.done $0x0  }
0x41: {  	[sflag:s11] =	ssyncadd.s32 $0xFFFFF800  }
0x42: {  	_ =	swait.ge [sflag:s12], $0x80  }
0x43: {  	[sflag:s12] =	ssyncset.done $0x0  }
0x44: {  	[sflag:s12] =	ssyncadd.s32 $0xFFFFFF80  }
0x45: {  	_ =	swait.ge [sflag:s11], $0x800  }
0x46: {  	[sflag:s11] =	ssyncset.done $0x0  }
0x47: {  	[sflag:s11] =	ssyncadd.s32 $0xFFFFF800  }
0x48: {  	_ =	swait.ge [sflag:s12], $0x80  }
0x49: {  	[sflag:s12] =	ssyncset.done $0x0  }
0x4a: {  	[sflag:s12] =	ssyncadd.s32 $0xFFFFFF80  }
0x4b: {  	_ =	swait.ge [sflag:s11], $0x800  }
0x4c: {  	[sflag:s11] =	ssyncset.done $0x0  }
0x4d: {  	[sflag:s11] =	ssyncadd.s32 $0xFFFFF800  }
0x4e: {  	_ =	swait.ge [sflag:s12], $0x80  }
0x4f: {  	[sflag:s12] =	ssyncset.done $0x0  }
0x50: {  	[sflag:s12] =	ssyncadd.s32 $0xFFFFFF80  }
0x51: {  	_ =	swait.ge [sflag:s11], $0x800  }
0x52: {  	[sflag:s11] =	ssyncset.done $0x0  }
0x53: {  	[sflag:s11] =	ssyncadd.s32 $0xFFFFF800  }
0x54: {  	_ =	swait.ge [sflag:s12], $0x80  }
0x55: {  	[sflag:s12] =	ssyncset.done $0x0  }
0x56: {  	[sflag:s12] =	ssyncadd.s32 $0xFFFFFF80  }
0x57: {  	_ =	swait.ge [sflag:s11], $0x800  }
0x58: {  	[sflag:s11] =	ssyncset.done $0x0  }
0x59: {  	[sflag:s11] =	ssyncadd.s32 $0xFFFFF800  }
0x5a: {  	_ =	swait.ge [sflag:s12], $0x80  }
0x5b: {  	[sflag:s12] =	ssyncset.done $0x0  }
0x5c: {  	[sflag:s12] =	ssyncadd.s32 $0xFFFFFF80  }
0x5d: {  	_ =	swait.ge [sflag:s11], $0x800  }
0x5e: {  	s22 =	sand.u32 $0x1, s20;
	p0 =	seq.s32 s16, $0xC000;
	[sflag:s11] =	ssyncset.done $0x0  }
0x5f: {  	s23 =	sshll.u32 @!p0 s22, $0xA;
	[sflag:s11] =	ssyncadd.s32 $0xFFFFF800  }
0x60: {  	s29 =	sshra.s32 @!p0 s16, $0x2;
	s25 =	sxor.u32 @!p0 $0x400, s23;
	_ =	swait.ge [sflag:s12], $0x80  }
0x61: {  	s1 =	simm.s32 @!p0 $0x80;
	s26 =	sshll.u32 @!p0 s25, $0x4;
	[sflag:s12] =	ssyncset.done $0x0  }
0x62: {  	s30 =	sadd.s32 @!p0 $0x400, s29;
	s26 =	sor.u32 @!p0 $0x3400, s26;
	[sflag:s12] =	ssyncadd.s32 $0xFFFFFF80  }
0x63: {  	[tilespmem:s26], [sflag:$0x1] =	stream.indirect.gather @!p0 [hbm4b:s3+s1], $0x10, s30, s1, $0xb8;
	[tilespmem:$0xBC00] =	vst v63  }
0x64: {  	s25 =	sadd.s32 @!p0 $0xB400, s25  }
0x65: {  	[tilespmem:s25], [sflag:$0x2] =	stream.indirect.gather @!p0 [hbm4b:s4+s1], $0x1, s30, s1, $0xb8;
	[tilespmem:$0xBC00] =	vst v63  }
0x66: {  	s25 =	sshll.u32 @!p0 s22, $0xE  }
0x67: {  	s26 =	sxor.u32 @!p0 $0x4800, s25  }
0x68: {  	s30 =	sadd.s32 @!p0 $0x480, s29;
	s26 =	sor.u32 @!p0 $0x3400, s26  }
0x69: {  	[tilespmem:s26], [sflag:$0x1] =	stream.indirect.gather @!p0 [hbm4b:s3+s1], $0x10, s30, s1, $0xb8;
	[tilespmem:$0xBC00] =	vst v63  }
0x6a: {  	s26 =	ssub.s32 @!p0 $0xB880, s23  }
0x6b: {  	[tilespmem:s26], [sflag:$0x2] =	stream.indirect.gather @!p0 [hbm4b:s4+s1], $0x1, s30, s1, $0xb8;
	[tilespmem:$0xBC00] =	vst v63  }
0x6c: {  	s26 =	sxor.u32 @!p0 $0x5000, s25  }
0x6d: {  	s30 =	sadd.s32 @!p0 $0x500, s29;
	s26 =	sadd.s32 @!p0 $0x3400, s26  }
0x6e: {  	[tilespmem:s26], [sflag:$0x1] =	stream.indirect.gather @!p0 [hbm4b:s3+s1], $0x10, s30, s1, $0xb8;
	[tilespmem:$0xBC00] =	vst v63  }
0x6f: {  	s26 =	ssub.s32 @!p0 $0xB900, s23  }
0x70: {  	[tilespmem:s26], [sflag:$0x2] =	stream.indirect.gather @!p0 [hbm4b:s4+s1], $0x1, s30, s1, $0xb8;
	[tilespmem:$0xBC00] =	vst v63  }
0x71: {  	s26 =	sxor.u32 @!p0 $0x5800, s25  }
0x72: {  	s30 =	sadd.s32 @!p0 $0x580, s29;
	s26 =	sadd.s32 @!p0 $0x3400, s26  }
0x73: {  	[tilespmem:s26], [sflag:$0x1] =	stream.indirect.gather @!p0 [hbm4b:s3+s1], $0x10, s30, s1, $0xb8;
	[tilespmem:$0xBC00] =	vst v63  }
0x74: {  	s26 =	ssub.s32 @!p0 $0xB980, s23  }
0x75: {  	[tilespmem:s26], [sflag:$0x2] =	stream.indirect.gather @!p0 [hbm4b:s4+s1], $0x1, s30, s1, $0xb8;
	[tilespmem:$0xBC00] =	vst v63  }
0x76: {  	s26 =	sxor.u32 @!p0 $0x6000, s25  }
0x77: {  	s30 =	sadd.s32 @!p0 $0x600, s29;
	s26 =	sadd.s32 @!p0 $0x3400, s26  }
0x78: {  	[tilespmem:s26], [sflag:$0x1] =	stream.indirect.gather @!p0 [hbm4b:s3+s1], $0x10, s30, s1, $0xb8;
	[tilespmem:$0xBC00] =	vst v63  }
0x79: {  	s26 =	ssub.s32 @!p0 $0xBA00, s23  }
0x7a: {  	[tilespmem:s26], [sflag:$0x2] =	stream.indirect.gather @!p0 [hbm4b:s4+s1], $0x1, s30, s1, $0xb8;
	[tilespmem:$0xBC00] =	vst v63  }
0x7b: {  	s26 =	sxor.u32 @!p0 $0x6800, s25  }
0x7c: {  	s30 =	sadd.s32 @!p0 $0x680, s29;
	s26 =	sadd.s32 @!p0 $0x3400, s26  }
0x7d: {  	[tilespmem:s26], [sflag:$0x1] =	stream.indirect.gather @!p0 [hbm4b:s3+s1], $0x10, s30, s1, $0xb8;
	[tilespmem:$0xBC00] =	vst v63  }
0x7e: {  	s26 =	ssub.s32 @!p0 $0xBA80, s23  }
0x7f: {  	[tilespmem:s26], [sflag:$0x2] =	stream.indirect.gather @!p0 [hbm4b:s4+s1], $0x1, s30, s1, $0xb8;
	[tilespmem:$0xBC00] =	vst v63  }
0x80: {  	s26 =	sxor.u32 @!p0 $0x7000, s25  }
0x81: {  	s30 =	sadd.s32 @!p0 $0x700, s29;
	s26 =	sadd.s32 @!p0 $0x3400, s26  }
0x82: {  	[tilespmem:s26], [sflag:$0x1] =	stream.indirect.gather @!p0 [hbm4b:s3+s1], $0x10, s30, s1, $0xb8;
	[tilespmem:$0xBC00] =	vst v63  }
0x83: {  	s25 =	sxor.u32 @!p0 $0x7800, s25;
	s26 =	ssub.s32 @!p0 $0xBB00, s23  }
0x84: {  	[tilespmem:s26], [sflag:$0x2] =	stream.indirect.gather @!p0 [hbm4b:s4+s1], $0x1, s30, s1, $0xb8;
	[tilespmem:$0xBC00] =	vst v63  }
0x85: {  	s25 =	sadd.s32 @!p0 $0x3400, s25;
	s26 =	sadd.s32 @!p0 $0x780, s29  }
0x86: {  	[tilespmem:s25], [sflag:$0x1] =	stream.indirect.gather @!p0 [hbm4b:s3+s1], $0x10, s26, s1, $0xb8;
	[tilespmem:$0xBC00] =	vst v63  }
0x87: {  	p1 =	slt.u32 @!p0 s20, $0x2;
	s23 =	ssub.s32 @!p0 $0xBB80, s23  }
0x88: {  	[tilespmem:s23], [sflag:$0x2] =	stream.indirect.gather @!p0 [hbm4b:s4+s1], $0x1, s26, s1, $0xb8;
	[tilespmem:$0xBC00] =	vst v63  }
0x89: {  	p0 =	por p0, !p1  }
0x8a: {  	_ =	swait.ge @p0 [sflag:s13], $0x4000  }
0x8b: {  	[sflag:s13] =	ssyncset.done @p0 $0x0  }
0x8c: {  	[sflag:s13] =	ssyncadd.s32 @p0 $0xFFFFC000  }
0x8d: {  	_ =	swait.ge @p0 [sflag:s13], $0x400  }
0x8e: {  	s16 =	sadd.s32 $0x1000, s16;
	[sflag:s13] =	ssyncset.done @p0 $0x0  }
0x8f: {  	s29 =	sshll.u32 s22, $0xE;
	[sflag:s13] =	ssyncadd.s32 @p0 $0xFFFFFC00;
	p0 =	sne.s32 s16, $0xD000  }
.Ltmp0:
0x90: {  	s30 =	sshll.u32 s22, $0xA;
	s1 =	sor.u32 $0x3400, s29;
	(pc) =	sbr.rel @p0 .LBB2_2-.Ltmp0, $4  }
0x91: {  	[hbm4b:s8+s2] =	stream.linear.scatter [tilespmem:s1], [sflag:$0x3], $0x4000, $0x38;
	[tilespmem:$0xBC00] =	vst v63  }
0x92: {  	s1 =	sadd.s32 $0xB400, s30  }
0x93: {  	[hbm4b:s7+s2] =	stream.linear.scatter [tilespmem:s1], [sflag:$0x3], $0x400, $0x38;
	[tilespmem:$0xBC00] =	vst v63  }
0x94: {  	s20 =	sadd.s32 $0x1, s20;
	s8 =	sadd.s32 $0x800, s8;
	s7 =	sadd.s32 $0x80, s7  }
0x95: {  	_ =	swait.ge [sflag:s13], $0x4000  }
0x96: {  	[sflag:s13] =	ssyncset.done $0x0  }
0x97: {  	[sflag:s13] =	ssyncadd.s32 $0xFFFFC000  }
0x98: {  	_ =	swait.ge [sflag:s13], $0x400  }
0x99: {  	[sflag:s13] =	ssyncset.done $0x0  }
0x9a: {  	s14 =	sadd.s32 $0x1, s14;
	[sflag:s13] =	ssyncadd.s32 $0xFFFFFC00  }
0x9b: {  	p0 =	sne.s32 s14, s6;
	_ =	swait.ge [sflag:s13], $0x4000  }
.Ltmp1:
0x9c: {  	[sflag:s13] =	ssyncset.done $0x0;
	(pc) =	sbr.rel @p0 .LBB2_1-.Ltmp1, $4  }
0x9d: {  	[sflag:s13] =	ssyncadd.s32 $0xFFFFC000  }
0x9e: {  	_ =	swait.ge [sflag:s13], $0x400  }
0x9f: {  	[sflag:s13] =	ssyncset.done $0x0  }
0xa0: {  	[sflag:s13] =	ssyncadd.s32 $0xFFFFFC00  }
0xa1: {  	_ =	sfence.sel $0x180000  }
0xa2: {  	[bflag:$0x0] =	sbarrier.arrive $0xFFFF  }
0xa3: {  	_ =	strace $0x9000004A  }
0xa4: {  	s0 =	stileid.u32;
	[bflag:$0x2] =	sbarrier.arrive $0xFFFF  }
0xa5: {  	p0 =	sne.s32 s0, $0x0;
	s0 =	rddreg [dreg:$0x1]  }
0xa6: {  	s0 =	sadd.s32 @!p0 $0x100000, s0  }
0xa7: {  	[sflag:s0] =	ssyncadd.tile.s32 @!p0 $0x1;
	_ =	shalt  }
.Lfunc_end2:
_tile_overlayer_lowered:
.L_overlay_start_2:
0xa8: {  	(tag) =	ssettag $0x2  }
0xa9: {  	s0 =	rddreg [dreg:$0x0];
	s2 =	stileid.u32  }
0xaa: {  	s1 =	rddreg [dreg:$0x1];
	p0 =	sne.s32 s2, $0x0  }
0xab: {  	s3 =	rddreg [dreg:$0x2];
	[bflag:$0x3] =	sbarrier.arrive $0xFFFF;
	s2 =	simm.s32 @!p0 $0x1C04  }
0xac: {  	[timem:s3], [sflag:s2] =	dma.local @!p0 [hbm:s0], s1  }
0xad: {  	s0 =	simm.s32 @!p0 $0x4  }
0xae: {  	_ =	swait.ge @!p0 [sflag:s0], s1  }
0xaf: {  	s1 =	ssub.s32 @!p0 $0x0, s1;
	[sflag:s0] =	ssyncset.done @!p0 $0x0  }
0xb0: {  	[sflag:s0] =	ssyncadd.s32 @!p0 s1  }
0xb1: {  	[bflag:$0x3] =	sbarrier.arrive $0xFFFF  }
0xb2: {  	_ =	shalt  }

</sc_bundles>
